<compile_context>
chip_gen: v7x
topology: tpu7x:2x2x1
jax: 0.10.2.dev20260603
libtpu: 0.0.44.dev20260713+nightly
codegen_flags: <defaults>
</compile_context>

<pallas_src>
import functools

import jax
import jax.numpy as jnp
from jax import lax
from jax.experimental import pallas as pl
from jax.experimental.pallas import tpu as pltpu
from jax.experimental.pallas import tpu_sc as plsc

NC = 2
NS = 16
CH = 80
KDEPTH = 1


def _sc_accumulate(f0, f1, idx3d, zrows, two_n_pad, blocks_per_tile,
                   n_table):
    global _N_TABLE
    _N_TABLE = n_table
    rows_per_tile = two_n_pad // NS
    nb = blocks_per_tile
    mesh = plsc.VectorSubcoreMesh(core_axis_name="c", subcore_axis_name="s")

    @functools.partial(
        pl.kernel,
        out_type=jax.ShapeDtypeStruct((NC, two_n_pad, 64), jnp.float32),
        mesh=mesh,
        scratch_types=[
            pltpu.VMEM((2, 2 * KDEPTH, CH), jnp.int32),
            pltpu.VMEM((2, KDEPTH, CH, 64), jnp.float32),
            pltpu.VMEM_SHARED((two_n_pad, 64), jnp.float32),
            pltpu.VMEM_SHARED((_N_TABLE, 64), jnp.float32),
            pltpu.SemaphoreType.DMA,
            pltpu.SemaphoreType.DMA,
            pltpu.SemaphoreType.DMA,
        ],
        compiler_params=pltpu.CompilerParams(use_tc_tiling_on_sc=False),
    )
    def k(f0_hbm, f1_hbm, idx_hbm, zer_hbm, out_hbm,
          idx, rows, acc, table, gsem, ssem, isem):
        c = lax.axis_index("c")
        s = lax.axis_index("s")

        pltpu.sync_copy(zer_hbm, acc.at[pl.ds(s * rows_per_tile, rows_per_tile)])
        tslice = _N_TABLE // NS

        @pl.when(c == 0)
        def _():
            pltpu.sync_copy(f0_hbm.at[pl.ds(s * tslice, tslice)],
                            table.at[pl.ds(s * tslice, tslice)])

        @pl.when(c == 1)
        def _():
            pltpu.sync_copy(f1_hbm.at[pl.ds(s * tslice, tslice)],
                            table.at[pl.ds(s * tslice, tslice)])

        plsc.subcore_barrier()

        def main():
            def fire_gathers(m):
                for j in range(KDEPTH):
                    pltpu.async_copy(table.at[idx.at[m].at[j]],
                                     rows.at[m].at[j], gsem)

            def drain_gathers(m):
                for j in range(KDEPTH):
                    pltpu.make_async_copy(table.at[idx.at[m].at[j]],
                                          rows.at[m].at[j], gsem).wait()

            def fire_scatters(m):
                for j in range(KDEPTH):
                    pltpu.async_copy(rows.at[m].at[j],
                                     acc.at[idx.at[m].at[KDEPTH + j]], ssem,
                                     add=True)

            def drain_scatters(m):
                for j in range(KDEPTH):
                    pltpu.make_async_copy(rows.at[m].at[j],
                                          acc.at[idx.at[m].at[KDEPTH + j]],
                                          ssem).wait()

            def load_idx(m, blkid):
                return pltpu.async_copy(idx_hbm.at[blkid], idx.at[m], isem)

            load_idx(0, s * nb).wait()
            fire_gathers(0)

            def phase(i, m):
                drain_gathers(m)

                @pl.when(i >= 1)
                def _():
                    drain_scatters(1 - m)

                @pl.when(i <= nb - 2)
                def _():
                    a = load_idx(1 - m, s * nb + i + 1)
                    fire_scatters(m)
                    a.wait()
                    fire_gathers(1 - m)

                @pl.when(i == nb - 1)
                def _():
                    fire_scatters(m)

            def body(i2, _):
                phase(2 * i2, 0)
                phase(2 * i2 + 1, 1)
                return 0

            lax.fori_loop(0, nb // 2, body, 0)
            drain_scatters(1)

        main()

        plsc.subcore_barrier()
        pltpu.sync_copy(
            acc.at[pl.ds(s * rows_per_tile, rows_per_tile)],
            out_hbm.at[c, pl.ds(s * rows_per_tile, rows_per_tile)],
        )

    return k(f0, f1, idx3d, zrows)


def _tc_tail_body(acc_ref, lin_ref, mw_ref, mb_ref, g_ref, b_ref, out_ref,
                  *, n_nodes, bn_eps):
    n = n_nodes
    h = jnp.zeros((n, 128), dtype=jnp.float32)
    for k in range(2):
        for c in range(2):
            a = acc_ref[c, k * n:(k + 1) * n, :]
            w = lin_ref[k, c * 64:(c + 1) * 64, :]
            h = h + jnp.dot(a, w, preferred_element_type=jnp.float32)
    z = jnp.dot(h, mw_ref[...].T, preferred_element_type=jnp.float32) + mb_ref[...]
    r = jnp.maximum(z, 0.0)
    mean = jnp.mean(r, axis=0, keepdims=True)
    var = jnp.mean((r - mean) * (r - mean), axis=0, keepdims=True)
    out_ref[...] = g_ref[...] * (r - mean) * lax.rsqrt(var + bn_eps) + b_ref[...]


def kernel(feature, sp_embeddings, edge_index, edge_order, linear, mlp_w,
           mlp_b, bn_gamma, bn_beta):
    n_nodes, in_feat = feature.shape
    e = edge_index.shape[1]
    assert in_feat == 128

    two_n_pad = ((2 * n_nodes + NS * 8) // (NS * 8)) * (NS * 8)

    blk_edges = NS * CH * KDEPTH * 2
    e_pad = ((e + blk_edges - 1) // blk_edges) * blk_edges
    src = edge_index[0]
    cidx = edge_index[1] + edge_order * n_nodes
    if e_pad != e:
        pad = e_pad - e
        src = jnp.concatenate([src, jnp.zeros((pad,), jnp.int32)])
        cidx = jnp.concatenate(
            [cidx, jnp.full((pad,), 2 * n_nodes, jnp.int32)])
    blocks_per_tile = e_pad // (NS * CH * KDEPTH)
    nblk = NS * blocks_per_tile
    idx3d = jnp.concatenate(
        [src.reshape(nblk, KDEPTH, CH), cidx.reshape(nblk, KDEPTH, CH)],
        axis=1)
    f0 = feature[:, :64]
    f1 = feature[:, 64:]
    zrows = jnp.zeros((two_n_pad // NS, 64), dtype=jnp.float32)

    acc = _sc_accumulate(f0, f1, idx3d, zrows, two_n_pad, blocks_per_tile,
                         n_nodes)

    tail = pl.pallas_call(
        functools.partial(_tc_tail_body, n_nodes=n_nodes, bn_eps=1e-5),
        out_shape=jax.ShapeDtypeStruct((n_nodes, 128), jnp.float32),
    )
    return tail(acc, linear, mlp_w, mlp_b.reshape(1, 128),
                bn_gamma.reshape(1, 128), bn_beta.reshape(1, 128))

# --- scband reference (transcript-rebuilt; emitter-appended) ---
"""Pipeline reference for scband-spgconv-layer-56684978372726 (READ-ONLY COPY).

The authoritative reference and input builder live on the scoring server;
editing this copy changes nothing except your own understanding.
"""

import jax, jax.numpy as jnp
import numpy as np

N = 10000
E = 320000
IN_FEAT = 128
OUT_FEAT = 128
K_ORDER = 1
BN_EPS = 1e-5


def setup_inputs(seed: int = 0) -> dict:
    key = jax.random.key(seed)
    ks = jax.random.split(key, 8)
    feature = jax.random.normal(ks[0], (N, IN_FEAT), dtype=jnp.float32)
    sp_embeddings = jax.random.normal(ks[1], (N, IN_FEAT), dtype=jnp.float32)
    edge_index = jax.random.randint(ks[2], (2, E), 0, N, dtype=jnp.int32)
    edge_order = jax.random.randint(ks[3], (E,), 0, K_ORDER + 1, dtype=jnp.int32)
    # linear: xavier_normal_ init, shape [k_order+1, in_feat, out_feat]
    xavier_std = float(np.sqrt(2.0 / (IN_FEAT + OUT_FEAT)))
    linear = jax.random.normal(ks[4], (K_ORDER + 1, IN_FEAT, OUT_FEAT), dtype=jnp.float32) * xavier_std
    # mlp: nn.Linear(out_feat, out_feat) default init (kaiming-uniform-ish approximated by uniform)
    bound = float(1.0 / np.sqrt(OUT_FEAT))
    mlp_w = jax.random.uniform(ks[5], (OUT_FEAT, OUT_FEAT), minval=-bound, maxval=bound, dtype=jnp.float32)
    mlp_b = jax.random.uniform(ks[6], (OUT_FEAT,), minval=-bound, maxval=bound, dtype=jnp.float32)
    bn_gamma = jnp.ones((OUT_FEAT,), dtype=jnp.float32)
    bn_beta = jnp.zeros((OUT_FEAT,), dtype=jnp.float32)
    return {
        "feature": feature,
        "sp_embeddings": sp_embeddings,
        "edge_index": edge_index,
        "edge_order": edge_order,
        "linear": linear,
        "mlp_w": mlp_w,
        "mlp_b": mlp_b,
        "bn_gamma": bn_gamma,
        "bn_beta": bn_beta,
    }


def reference(feature, sp_embeddings, edge_index, edge_order, linear, mlp_w, mlp_b, bn_gamma, bn_beta):
    src = edge_index[0]
    dst = edge_index[1]
    # msg_fun: h_msg[e] = einsum('ij,i->j', linear[order[e]], h[src[e]])
    src_h = jnp.take(feature, src, axis=0)  # [E, in]
    # compute messages for every order then select per-edge (avoids materializing [E, in, out])
    all_msgs = jnp.einsum('kio,ei->keo', linear, src_h)  # [k+1, E, out]
    msg = jnp.take_along_axis(all_msgs, edge_order[None, :, None].astype(jnp.int32), axis=0)[0]  # [E, out]
    # agg_fun: sum over incoming messages per dst node (nodes with no msgs -> 0)
    agg = jax.ops.segment_sum(msg, dst, num_segments=N)  # [N, out]
    # mlp: Linear -> ReLU -> BatchNorm1d (training-mode batch stats)
    h = agg @ mlp_w.T + mlp_b
    h = jax.nn.relu(h)
    mean = jnp.mean(h, axis=0)
    var = jnp.var(h, axis=0)
    h = bn_gamma * (h - mean) / jnp.sqrt(var + BN_EPS) + bn_beta
    # shortcut=False -> no residual add
    return h

if __name__ == "__main__":
    import jax
    _d = setup_inputs()
    print(jax.jit(kernel)(*tuple(_d.values())))

</pallas_src>

<mosaic_0001>
#map = affine_map<(d0, d1) -> (0, 0)>
#map1 = affine_map<(d0, d1) -> (0, 0, 0)>
module attributes {stable_mosaic.version = 14 : i64} {
  func.func @k(%arg0: i32, %arg1: i32, %arg2: memref<10000x64xf32, #tpu.memory_space<hbm>>, %arg3: memref<10000x64xf32, #tpu.memory_space<hbm>>, %arg4: memref<4000x2x80xi32, #tpu.memory_space<hbm>>, %arg5: memref<1256x64xf32, #tpu.memory_space<hbm>>, %arg6: memref<2x20096x64xf32, #tpu.memory_space<hbm>>, %arg7: memref<2x2x80xi32, #tpu.memory_space<vmem>>, %arg8: memref<2x1x80x64xf32, #tpu.memory_space<vmem>>, %arg9: memref<20096x64xf32, #tpu.memory_space<vmem_shared>>, %arg10: memref<10000x64xf32, #tpu.memory_space<vmem_shared>>, %arg11: memref<!tpu.dma_semaphore, #tpu.memory_space<semaphore_mem>>, %arg12: memref<!tpu.dma_semaphore, #tpu.memory_space<semaphore_mem>>, %arg13: memref<!tpu.dma_semaphore, #tpu.memory_space<semaphore_mem>>) attributes {dimension_semantics = [#tpu.dimension_semantics<core_parallel>, #tpu.dimension_semantics<subcore_parallel>], iteration_bounds = array<i64: 2, 16>, scalar_prefetch = 0 : i64, scratch_operands = 7 : i64, tpu.core_type = #tpu.core_type<sc_vector_subcore>, window_params = [{transform_indices = #map}, {transform_indices = #map}, {transform_indices = #map1}, {transform_indices = #map}, {transform_indices = #map1}]} {
    %mul3A = arith.constant 1256 : i32
    %mul3A_0 = arith.muli %arg1, %mul3A : i32
    "tpu.region"() ({
      %run_scoped3A = tpu.sem_alloc : memref<!tpu.dma_semaphore, #tpu.memory_space<semaphore_mem>>
      %dma_start3A_99 = arith.constant 0 : i32
      %dma_start3A_100 = tpu.memref_slice %arg9[%mul3A_0, %dma_start3A_99] : memref<20096x64xf32, #tpu.memory_space<vmem_shared>> -> memref<1256x64xf32, #tpu.memory_space<vmem_shared>>
      tpu.enqueue_dma source(%arg5 : memref<1256x64xf32, #tpu.memory_space<hbm>>) target(%dma_start3A_100 : memref<1256x64xf32, #tpu.memory_space<vmem_shared>>) target_semaphore(%run_scoped3A : memref<!tpu.dma_semaphore, #tpu.memory_space<semaphore_mem>>)
      %dma_wait3A_101 = arith.constant 0 : i32
      %dma_wait3A_102 = tpu.memref_slice %arg9[%mul3A_0, %dma_wait3A_101] : memref<20096x64xf32, #tpu.memory_space<vmem_shared>> -> memref<1256x64xf32, #tpu.memory_space<vmem_shared>>
      tpu.wait_dma2 semaphore(%run_scoped3A : memref<!tpu.dma_semaphore, #tpu.memory_space<semaphore_mem>>) src(%arg5 : memref<1256x64xf32, #tpu.memory_space<hbm>>) dst(%dma_wait3A_102 : memref<1256x64xf32, #tpu.memory_space<vmem_shared>>)
      tpu.yield
    }) : () -> ()
    %eq3A = arith.constant 0 : i32
    %eq3A_1 = arith.cmpi eq, %arg0, %eq3A : i32
    %convert_element_type3A = arith.extui %eq3A_1 : i1 to i32
    %cond3A = arith.constant 0 : i32
    %cond3A_2 = arith.cmpi ne, %convert_element_type3A, %cond3A : i32
    scf.if %cond3A_2 {
      %mul3A_99 = arith.constant 625 : i32
      %mul3A_100 = arith.muli %arg1, %mul3A_99 : i32
      %mul3A_101 = arith.constant 625 : i32
      %mul3A_102 = arith.muli %arg1, %mul3A_101 : i32
      "tpu.region"() ({
        %run_scoped3A = tpu.sem_alloc : memref<!tpu.dma_semaphore, #tpu.memory_space<semaphore_mem>>
        %dma_start3A_103 = arith.constant 0 : i32
        %dma_start3A_104 = tpu.memref_slice %arg10[%mul3A_102, %dma_start3A_103] : memref<10000x64xf32, #tpu.memory_space<vmem_shared>> -> memref<625x64xf32, #tpu.memory_space<vmem_shared>>
        %dma_start3A_105 = arith.constant 0 : i32
        %dma_start3A_106 = tpu.memref_slice %arg2[%mul3A_100, %dma_start3A_105] : memref<10000x64xf32, #tpu.memory_space<hbm>> -> memref<625x64xf32, #tpu.memory_space<hbm>>
        tpu.enqueue_dma source(%dma_start3A_106 : memref<625x64xf32, #tpu.memory_space<hbm>>) target(%dma_start3A_104 : memref<625x64xf32, #tpu.memory_space<vmem_shared>>) target_semaphore(%run_scoped3A : memref<!tpu.dma_semaphore, #tpu.memory_space<semaphore_mem>>)
        %dma_wait3A_107 = arith.constant 0 : i32
        %dma_wait3A_108 = tpu.memref_slice %arg10[%mul3A_102, %dma_wait3A_107] : memref<10000x64xf32, #tpu.memory_space<vmem_shared>> -> memref<625x64xf32, #tpu.memory_space<vmem_shared>>
        %dma_wait3A_109 = arith.constant 0 : i32
        %dma_wait3A_110 = tpu.memref_slice %arg2[%mul3A_100, %dma_wait3A_109] : memref<10000x64xf32, #tpu.memory_space<hbm>> -> memref<625x64xf32, #tpu.memory_space<hbm>>
        tpu.wait_dma2 semaphore(%run_scoped3A : memref<!tpu.dma_semaphore, #tpu.memory_space<semaphore_mem>>) src(%dma_wait3A_110 : memref<625x64xf32, #tpu.memory_space<hbm>>) dst(%dma_wait3A_108 : memref<625x64xf32, #tpu.memory_space<vmem_shared>>)
        tpu.yield
      }) : () -> ()
    } else {
    }
    %eq3A_3 = arith.constant 1 : i32
    %eq3A_4 = arith.cmpi eq, %arg0, %eq3A_3 : i32
    %convert_element_type3A_5 = arith.extui %eq3A_4 : i1 to i32
    %cond3A_6 = arith.constant 0 : i32
    %cond3A_7 = arith.cmpi ne, %convert_element_type3A_5, %cond3A_6 : i32
    scf.if %cond3A_7 {
      %mul3A_99 = arith.constant 625 : i32
      %mul3A_100 = arith.muli %arg1, %mul3A_99 : i32
      %mul3A_101 = arith.constant 625 : i32
      %mul3A_102 = arith.muli %arg1, %mul3A_101 : i32
      "tpu.region"() ({
        %run_scoped3A = tpu.sem_alloc : memref<!tpu.dma_semaphore, #tpu.memory_space<semaphore_mem>>
        %dma_start3A_103 = arith.constant 0 : i32
        %dma_start3A_104 = tpu.memref_slice %arg10[%mul3A_102, %dma_start3A_103] : memref<10000x64xf32, #tpu.memory_space<vmem_shared>> -> memref<625x64xf32, #tpu.memory_space<vmem_shared>>
        %dma_start3A_105 = arith.constant 0 : i32
        %dma_start3A_106 = tpu.memref_slice %arg3[%mul3A_100, %dma_start3A_105] : memref<10000x64xf32, #tpu.memory_space<hbm>> -> memref<625x64xf32, #tpu.memory_space<hbm>>
        tpu.enqueue_dma source(%dma_start3A_106 : memref<625x64xf32, #tpu.memory_space<hbm>>) target(%dma_start3A_104 : memref<625x64xf32, #tpu.memory_space<vmem_shared>>) target_semaphore(%run_scoped3A : memref<!tpu.dma_semaphore, #tpu.memory_space<semaphore_mem>>)
        %dma_wait3A_107 = arith.constant 0 : i32
        %dma_wait3A_108 = tpu.memref_slice %arg10[%mul3A_102, %dma_wait3A_107] : memref<10000x64xf32, #tpu.memory_space<vmem_shared>> -> memref<625x64xf32, #tpu.memory_space<vmem_shared>>
        %dma_wait3A_109 = arith.constant 0 : i32
        %dma_wait3A_110 = tpu.memref_slice %arg3[%mul3A_100, %dma_wait3A_109] : memref<10000x64xf32, #tpu.memory_space<hbm>> -> memref<625x64xf32, #tpu.memory_space<hbm>>
        tpu.wait_dma2 semaphore(%run_scoped3A : memref<!tpu.dma_semaphore, #tpu.memory_space<semaphore_mem>>) src(%dma_wait3A_110 : memref<625x64xf32, #tpu.memory_space<hbm>>) dst(%dma_wait3A_108 : memref<625x64xf32, #tpu.memory_space<vmem_shared>>)
        tpu.yield
      }) : () -> ()
    } else {
    }
    %barrier3A = arith.constant 0 : index
    tpu.barrier barrier_id(%barrier3A)
    %mul3A_8 = arith.constant 250 : i32
    %mul3A_9 = arith.muli %arg1, %mul3A_8 : i32
    %dma_start3A = arith.constant 0 : i32
    %dma_start3A_10 = arith.constant 0 : i32
    %dma_start3A_11 = arith.constant 0 : i32
    %dma_start3A_12 = tpu.memref_slice %arg7[%dma_start3A, %dma_start3A_10, %dma_start3A_11] : memref<2x2x80xi32, #tpu.memory_space<vmem>> -> memref<1x2x80xi32, #tpu.memory_space<vmem>>
    %dma_start3A_13 = tpu.memref_squeeze %dma_start3A_12 : memref<1x2x80xi32, #tpu.memory_space<vmem>> -> memref<2x80xi32, #tpu.memory_space<vmem>>
    %dma_start3A_14 = arith.constant 0 : i32
    %dma_start3A_15 = arith.constant 0 : i32
    %dma_start3A_16 = tpu.memref_slice %arg4[%mul3A_9, %dma_start3A_14, %dma_start3A_15] : memref<4000x2x80xi32, #tpu.memory_space<hbm>> -> memref<1x2x80xi32, #tpu.memory_space<hbm>>
    %dma_start3A_17 = tpu.memref_squeeze %dma_start3A_16 : memref<1x2x80xi32, #tpu.memory_space<hbm>> -> memref<2x80xi32, #tpu.memory_space<hbm>>
    %dma_start3A_18 = arith.constant 0 : i32
    %dma_start3A_19 = arith.constant 0 : i32
    %dma_start3A_20 = tpu.memref_slice %arg7[%dma_start3A, %dma_start3A_18, %dma_start3A_19] : memref<2x2x80xi32, #tpu.memory_space<vmem>> -> memref<1x2x80xi32, #tpu.memory_space<vmem>>
    %dma_start3A_21 = tpu.memref_squeeze %dma_start3A_20 : memref<1x2x80xi32, #tpu.memory_space<vmem>> -> memref<2x80xi32, #tpu.memory_space<vmem>>
    %dma_start3A_22 = arith.constant 0 : i32
    %dma_start3A_23 = arith.constant 0 : i32
    %dma_start3A_24 = tpu.memref_slice %arg4[%mul3A_9, %dma_start3A_22, %dma_start3A_23] : memref<4000x2x80xi32, #tpu.memory_space<hbm>> -> memref<1x2x80xi32, #tpu.memory_space<hbm>>
    %dma_start3A_25 = tpu.memref_squeeze %dma_start3A_24 : memref<1x2x80xi32, #tpu.memory_space<hbm>> -> memref<2x80xi32, #tpu.memory_space<hbm>>
    tpu.enqueue_dma source(%dma_start3A_25 : memref<2x80xi32, #tpu.memory_space<hbm>>) target(%dma_start3A_21 : memref<2x80xi32, #tpu.memory_space<vmem>>) target_semaphore(%arg13 : memref<!tpu.dma_semaphore, #tpu.memory_space<semaphore_mem>>)
    %dma_wait3A = arith.constant 0 : i32
    %dma_wait3A_26 = arith.constant 0 : i32
    %dma_wait3A_27 = arith.constant 0 : i32
    %dma_wait3A_28 = tpu.memref_slice %arg7[%dma_wait3A, %dma_wait3A_26, %dma_wait3A_27] : memref<2x2x80xi32, #tpu.memory_space<vmem>> -> memref<1x2x80xi32, #tpu.memory_space<vmem>>
    %dma_wait3A_29 = tpu.memref_squeeze %dma_wait3A_28 : memref<1x2x80xi32, #tpu.memory_space<vmem>> -> memref<2x80xi32, #tpu.memory_space<vmem>>
    %dma_wait3A_30 = arith.constant 0 : i32
    %dma_wait3A_31 = arith.constant 0 : i32
    %dma_wait3A_32 = tpu.memref_slice %arg4[%mul3A_9, %dma_wait3A_30, %dma_wait3A_31] : memref<4000x2x80xi32, #tpu.memory_space<hbm>> -> memref<1x2x80xi32, #tpu.memory_space<hbm>>
    %dma_wait3A_33 = tpu.memref_squeeze %dma_wait3A_32 : memref<1x2x80xi32, #tpu.memory_space<hbm>> -> memref<2x80xi32, #tpu.memory_space<hbm>>
    %dma_wait3A_34 = arith.constant 0 : i32
    %dma_wait3A_35 = arith.constant 0 : i32
    %dma_wait3A_36 = tpu.memref_slice %arg7[%dma_wait3A, %dma_wait3A_34, %dma_wait3A_35] : memref<2x2x80xi32, #tpu.memory_space<vmem>> -> memref<1x2x80xi32, #tpu.memory_space<vmem>>
    %dma_wait3A_37 = tpu.memref_squeeze %dma_wait3A_36 : memref<1x2x80xi32, #tpu.memory_space<vmem>> -> memref<2x80xi32, #tpu.memory_space<vmem>>
    %dma_wait3A_38 = arith.constant 0 : i32
    %dma_wait3A_39 = arith.constant 0 : i32
    %dma_wait3A_40 = tpu.memref_slice %arg4[%mul3A_9, %dma_wait3A_38, %dma_wait3A_39] : memref<4000x2x80xi32, #tpu.memory_space<hbm>> -> memref<1x2x80xi32, #tpu.memory_space<hbm>>
    %dma_wait3A_41 = tpu.memref_squeeze %dma_wait3A_40 : memref<1x2x80xi32, #tpu.memory_space<hbm>> -> memref<2x80xi32, #tpu.memory_space<hbm>>
    tpu.wait_dma2 semaphore(%arg13 : memref<!tpu.dma_semaphore, #tpu.memory_space<semaphore_mem>>) src(%dma_wait3A_41 : memref<2x80xi32, #tpu.memory_space<hbm>>) dst(%dma_wait3A_37 : memref<2x80xi32, #tpu.memory_space<vmem>>)
    %dma_start3A_42 = arith.constant 0 : i32
    %dma_start3A_43 = arith.constant 0 : i32
    %dma_start3A_44 = arith.constant 0 : i32
    %dma_start3A_45 = arith.constant 0 : i32
    %dma_start3A_46 = arith.constant 0 : i32
    %dma_start3A_47 = arith.constant 0 : i32
    %dma_start3A_48 = arith.constant 0 : i32
    %dma_start3A_49 = tpu.memref_slice %arg8[%dma_start3A_44, %dma_start3A_46, %dma_start3A_47, %dma_start3A_48] : memref<2x1x80x64xf32, #tpu.memory_space<vmem>> -> memref<1x1x80x64xf32, #tpu.memory_space<vmem>>
    %dma_start3A_50 = tpu.memref_squeeze %dma_start3A_49 : memref<1x1x80x64xf32, #tpu.memory_space<vmem>> -> memref<1x80x64xf32, #tpu.memory_space<vmem>>
    %dma_start3A_51 = arith.constant 0 : i32
    %dma_start3A_52 = arith.constant 0 : i32
    %dma_start3A_53 = tpu.memref_slice %dma_start3A_50[%dma_start3A_45, %dma_start3A_51, %dma_start3A_52] : memref<1x80x64xf32, #tpu.memory_space<vmem>> -> memref<1x80x64xf32, #tpu.memory_space<vmem>>
    %dma_start3A_54 = tpu.memref_squeeze %dma_start3A_53 : memref<1x80x64xf32, #tpu.memory_space<vmem>> -> memref<80x64xf32, #tpu.memory_space<vmem>>
    %dma_start3A_55 = arith.constant 0 : i32
    %dma_start3A_56 = arith.constant 0 : i32
    %dma_start3A_57 = tpu.memref_slice %arg7[%dma_start3A_42, %dma_start3A_55, %dma_start3A_56] : memref<2x2x80xi32, #tpu.memory_space<vmem>> -> memref<1x2x80xi32, #tpu.memory_space<vmem>>
    %dma_start3A_58 = tpu.memref_squeeze %dma_start3A_57 : memref<1x2x80xi32, #tpu.memory_space<vmem>> -> memref<2x80xi32, #tpu.memory_space<vmem>>
    %dma_start3A_59 = arith.constant 0 : i32
    %dma_start3A_60 = tpu.memref_slice %dma_start3A_58[%dma_start3A_43, %dma_start3A_59] : memref<2x80xi32, #tpu.memory_space<vmem>> -> memref<1x80xi32, #tpu.memory_space<vmem>>
    %dma_start3A_61 = tpu.memref_squeeze %dma_start3A_60 : memref<1x80xi32, #tpu.memory_space<vmem>> -> memref<80xi32, #tpu.memory_space<vmem>>
    %dma_start3A_62 = arith.constant 0 : i32
    %dma_start3A_63 = arith.constant 0 : i32
    %dma_start3A_64 = tpu.memref_slice %arg10[%dma_start3A_62, %dma_start3A_63] : memref<10000x64xf32, #tpu.memory_space<vmem_shared>> -> memref<10000x64xf32, #tpu.memory_space<vmem_shared>>
    tpu.enqueue_indirect_dma source(%dma_start3A_64 : memref<10000x64xf32, #tpu.memory_space<vmem_shared>>) target(%dma_start3A_54 : memref<80x64xf32, #tpu.memory_space<vmem>>) offsets(%dma_start3A_61 : memref<80xi32, #tpu.memory_space<vmem>>) semaphore(%arg11 : memref<!tpu.dma_semaphore, #tpu.memory_space<semaphore_mem>>)
    %scan3A = arith.constant 0 : i32
    %scan3A_65 = arith.constant 0 : i32
    %scan3A_66 = arith.constant 125 : i32
    %scan3A_67 = arith.addi %scan3A_65, %scan3A_66 : i32
    %scan3A_68 = arith.constant 1 : i32
    %scan3A_69 = scf.for %scan3A_99 = %scan3A_65 to %scan3A_67 step %scan3A_68 iter_args(%scan3A_100 = %scan3A) -> (i32)  : i32 {
      %mul3A_101 = arith.constant 2 : i32
      %mul3A_102 = arith.muli %mul3A_101, %scan3A_99 : i32
      %dma_wait3A_103 = arith.constant 0 : i32
      %dma_wait3A_104 = arith.constant 0 : i32
      %dma_wait3A_105 = arith.constant 0 : i32
      %dma_wait3A_106 = arith.constant 0 : i32
      %dma_wait3A_107 = arith.constant 0 : i32
      %dma_wait3A_108 = arith.constant 0 : i32
      %dma_wait3A_109 = arith.constant 0 : i32
      %dma_wait3A_110 = tpu.memref_slice %arg8[%dma_wait3A_105, %dma_wait3A_107, %dma_wait3A_108, %dma_wait3A_109] : memref<2x1x80x64xf32, #tpu.memory_space<vmem>> -> memref<1x1x80x64xf32, #tpu.memory_space<vmem>>
      %dma_wait3A_111 = tpu.memref_squeeze %dma_wait3A_110 : memref<1x1x80x64xf32, #tpu.memory_space<vmem>> -> memref<1x80x64xf32, #tpu.memory_space<vmem>>
      %dma_wait3A_112 = arith.constant 0 : i32
      %dma_wait3A_113 = arith.constant 0 : i32
      %dma_wait3A_114 = tpu.memref_slice %dma_wait3A_111[%dma_wait3A_106, %dma_wait3A_112, %dma_wait3A_113] : memref<1x80x64xf32, #tpu.memory_space<vmem>> -> memref<1x80x64xf32, #tpu.memory_space<vmem>>
      %dma_wait3A_115 = tpu.memref_squeeze %dma_wait3A_114 : memref<1x80x64xf32, #tpu.memory_space<vmem>> -> memref<80x64xf32, #tpu.memory_space<vmem>>
      %dma_wait3A_116 = arith.constant 0 : i32
      %dma_wait3A_117 = arith.constant 0 : i32
      %dma_wait3A_118 = tpu.memref_slice %arg7[%dma_wait3A_103, %dma_wait3A_116, %dma_wait3A_117] : memref<2x2x80xi32, #tpu.memory_space<vmem>> -> memref<1x2x80xi32, #tpu.memory_space<vmem>>
      %dma_wait3A_119 = tpu.memref_squeeze %dma_wait3A_118 : memref<1x2x80xi32, #tpu.memory_space<vmem>> -> memref<2x80xi32, #tpu.memory_space<vmem>>
      %dma_wait3A_120 = arith.constant 0 : i32
      %dma_wait3A_121 = tpu.memref_slice %dma_wait3A_119[%dma_wait3A_104, %dma_wait3A_120] : memref<2x80xi32, #tpu.memory_space<vmem>> -> memref<1x80xi32, #tpu.memory_space<vmem>>
      %dma_wait3A_122 = tpu.memref_squeeze %dma_wait3A_121 : memref<1x80xi32, #tpu.memory_space<vmem>> -> memref<80xi32, #tpu.memory_space<vmem>>
      %dma_wait3A_123 = arith.constant 0 : i32
      %dma_wait3A_124 = arith.constant 0 : i32
      %dma_wait3A_125 = tpu.memref_slice %arg10[%dma_wait3A_123, %dma_wait3A_124] : memref<10000x64xf32, #tpu.memory_space<vmem_shared>> -> memref<10000x64xf32, #tpu.memory_space<vmem_shared>>
      tpu.wait_indirect_dma semaphore(%arg11 : memref<!tpu.dma_semaphore, #tpu.memory_space<semaphore_mem>>) src(%dma_wait3A_125 : memref<10000x64xf32, #tpu.memory_space<vmem_shared>>) dst(%dma_wait3A_115 : memref<80x64xf32, #tpu.memory_space<vmem>>)
      %ge3A = arith.constant 1 : i32
      %ge3A_126 = arith.cmpi sge, %mul3A_102, %ge3A : i32
      %convert_element_type3A_127 = arith.extui %ge3A_126 : i1 to i32
      %cond3A_128 = arith.constant 0 : i32
      %cond3A_129 = arith.cmpi ne, %convert_element_type3A_127, %cond3A_128 : i32
      scf.if %cond3A_129 {
        %dma_wait3A_181 = arith.constant 1 : i32
        %dma_wait3A_182 = arith.constant 0 : i32
        %dma_wait3A_183 = arith.constant 1 : i32
        %dma_wait3A_184 = arith.constant 1 : i32
        %dma_wait3A_185 = arith.constant 0 : i32
        %dma_wait3A_186 = arith.constant 0 : i32
        %dma_wait3A_187 = arith.constant 0 : i32
        %dma_wait3A_188 = tpu.memref_slice %arg8[%dma_wait3A_181, %dma_wait3A_185, %dma_wait3A_186, %dma_wait3A_187] : memref<2x1x80x64xf32, #tpu.memory_space<vmem>> -> memref<1x1x80x64xf32, #tpu.memory_space<vmem>>
        %dma_wait3A_189 = tpu.memref_squeeze %dma_wait3A_188 : memref<1x1x80x64xf32, #tpu.memory_space<vmem>> -> memref<1x80x64xf32, #tpu.memory_space<vmem>>
        %dma_wait3A_190 = arith.constant 0 : i32
        %dma_wait3A_191 = arith.constant 0 : i32
        %dma_wait3A_192 = tpu.memref_slice %dma_wait3A_189[%dma_wait3A_182, %dma_wait3A_190, %dma_wait3A_191] : memref<1x80x64xf32, #tpu.memory_space<vmem>> -> memref<1x80x64xf32, #tpu.memory_space<vmem>>
        %dma_wait3A_193 = tpu.memref_squeeze %dma_wait3A_192 : memref<1x80x64xf32, #tpu.memory_space<vmem>> -> memref<80x64xf32, #tpu.memory_space<vmem>>
        %dma_wait3A_194 = arith.constant 0 : i32
        %dma_wait3A_195 = arith.constant 0 : i32
        %dma_wait3A_196 = tpu.memref_slice %arg7[%dma_wait3A_183, %dma_wait3A_194, %dma_wait3A_195] : memref<2x2x80xi32, #tpu.memory_space<vmem>> -> memref<1x2x80xi32, #tpu.memory_space<vmem>>
        %dma_wait3A_197 = tpu.memref_squeeze %dma_wait3A_196 : memref<1x2x80xi32, #tpu.memory_space<vmem>> -> memref<2x80xi32, #tpu.memory_space<vmem>>
        %dma_wait3A_198 = arith.constant 0 : i32
        %dma_wait3A_199 = tpu.memref_slice %dma_wait3A_197[%dma_wait3A_184, %dma_wait3A_198] : memref<2x80xi32, #tpu.memory_space<vmem>> -> memref<1x80xi32, #tpu.memory_space<vmem>>
        %dma_wait3A_200 = tpu.memref_squeeze %dma_wait3A_199 : memref<1x80xi32, #tpu.memory_space<vmem>> -> memref<80xi32, #tpu.memory_space<vmem>>
        %dma_wait3A_201 = arith.constant 0 : i32
        %dma_wait3A_202 = arith.constant 0 : i32
        %dma_wait3A_203 = tpu.memref_slice %arg9[%dma_wait3A_201, %dma_wait3A_202] : memref<20096x64xf32, #tpu.memory_space<vmem_shared>> -> memref<20096x64xf32, #tpu.memory_space<vmem_shared>>
        tpu.wait_indirect_dma semaphore(%arg12 : memref<!tpu.dma_semaphore, #tpu.memory_space<semaphore_mem>>) src(%dma_wait3A_193 : memref<80x64xf32, #tpu.memory_space<vmem>>) dst(%dma_wait3A_203 : memref<20096x64xf32, #tpu.memory_space<vmem_shared>>)
      } else {
      }
      %le3A = arith.constant 248 : i32
      %le3A_130 = arith.cmpi sle, %mul3A_102, %le3A : i32
      %convert_element_type3A_131 = arith.extui %le3A_130 : i1 to i32
      %cond3A_132 = arith.constant 0 : i32
      %cond3A_133 = arith.cmpi ne, %convert_element_type3A_131, %cond3A_132 : i32
      scf.if %cond3A_133 {
        %mul3A_181 = arith.constant 250 : i32
        %mul3A_182 = arith.muli %arg1, %mul3A_181 : i32
        %add3A_183 = arith.addi %mul3A_182, %mul3A_102 : i32
        %add3A_184 = arith.constant 1 : i32
        %add3A_185 = arith.addi %add3A_183, %add3A_184 : i32
        %dma_start3A_186 = arith.constant 1 : i32
        %dma_start3A_187 = arith.constant 0 : i32
        %dma_start3A_188 = arith.constant 0 : i32
        %dma_start3A_189 = tpu.memref_slice %arg7[%dma_start3A_186, %dma_start3A_187, %dma_start3A_188] : memref<2x2x80xi32, #tpu.memory_space<vmem>> -> memref<1x2x80xi32, #tpu.memory_space<vmem>>
        %dma_start3A_190 = tpu.memref_squeeze %dma_start3A_189 : memref<1x2x80xi32, #tpu.memory_space<vmem>> -> memref<2x80xi32, #tpu.memory_space<vmem>>
        %dma_start3A_191 = arith.constant 0 : i32
        %dma_start3A_192 = arith.constant 0 : i32
        %dma_start3A_193 = tpu.memref_slice %arg4[%add3A_185, %dma_start3A_191, %dma_start3A_192] : memref<4000x2x80xi32, #tpu.memory_space<hbm>> -> memref<1x2x80xi32, #tpu.memory_space<hbm>>
        %dma_start3A_194 = tpu.memref_squeeze %dma_start3A_193 : memref<1x2x80xi32, #tpu.memory_space<hbm>> -> memref<2x80xi32, #tpu.memory_space<hbm>>
        %dma_start3A_195 = arith.constant 0 : i32
        %dma_start3A_196 = arith.constant 0 : i32
        %dma_start3A_197 = tpu.memref_slice %arg7[%dma_start3A_186, %dma_start3A_195, %dma_start3A_196] : memref<2x2x80xi32, #tpu.memory_space<vmem>> -> memref<1x2x80xi32, #tpu.memory_space<vmem>>
        %dma_start3A_198 = tpu.memref_squeeze %dma_start3A_197 : memref<1x2x80xi32, #tpu.memory_space<vmem>> -> memref<2x80xi32, #tpu.memory_space<vmem>>
        %dma_start3A_199 = arith.constant 0 : i32
        %dma_start3A_200 = arith.constant 0 : i32
        %dma_start3A_201 = tpu.memref_slice %arg4[%add3A_185, %dma_start3A_199, %dma_start3A_200] : memref<4000x2x80xi32, #tpu.memory_space<hbm>> -> memref<1x2x80xi32, #tpu.memory_space<hbm>>
        %dma_start3A_202 = tpu.memref_squeeze %dma_start3A_201 : memref<1x2x80xi32, #tpu.memory_space<hbm>> -> memref<2x80xi32, #tpu.memory_space<hbm>>
        tpu.enqueue_dma source(%dma_start3A_202 : memref<2x80xi32, #tpu.memory_space<hbm>>) target(%dma_start3A_198 : memref<2x80xi32, #tpu.memory_space<vmem>>) target_semaphore(%arg13 : memref<!tpu.dma_semaphore, #tpu.memory_space<semaphore_mem>>)
        %dma_start3A_203 = arith.constant 0 : i32
        %dma_start3A_204 = arith.constant 0 : i32
        %dma_start3A_205 = arith.constant 0 : i32
        %dma_start3A_206 = arith.constant 1 : i32
        %dma_start3A_207 = arith.constant 0 : i32
        %dma_start3A_208 = arith.constant 0 : i32
        %dma_start3A_209 = arith.constant 0 : i32
        %dma_start3A_210 = tpu.memref_slice %arg8[%dma_start3A_203, %dma_start3A_207, %dma_start3A_208, %dma_start3A_209] : memref<2x1x80x64xf32, #tpu.memory_space<vmem>> -> memref<1x1x80x64xf32, #tpu.memory_space<vmem>>
        %dma_start3A_211 = tpu.memref_squeeze %dma_start3A_210 : memref<1x1x80x64xf32, #tpu.memory_space<vmem>> -> memref<1x80x64xf32, #tpu.memory_space<vmem>>
        %dma_start3A_212 = arith.constant 0 : i32
        %dma_start3A_213 = arith.constant 0 : i32
        %dma_start3A_214 = tpu.memref_slice %dma_start3A_211[%dma_start3A_204, %dma_start3A_212, %dma_start3A_213] : memref<1x80x64xf32, #tpu.memory_space<vmem>> -> memref<1x80x64xf32, #tpu.memory_space<vmem>>
        %dma_start3A_215 = tpu.memref_squeeze %dma_start3A_214 : memref<1x80x64xf32, #tpu.memory_space<vmem>> -> memref<80x64xf32, #tpu.memory_space<vmem>>
        %dma_start3A_216 = arith.constant 0 : i32
        %dma_start3A_217 = arith.constant 0 : i32
        %dma_start3A_218 = tpu.memref_slice %arg7[%dma_start3A_205, %dma_start3A_216, %dma_start3A_217] : memref<2x2x80xi32, #tpu.memory_space<vmem>> -> memref<1x2x80xi32, #tpu.memory_space<vmem>>
        %dma_start3A_219 = tpu.memref_squeeze %dma_start3A_218 : memref<1x2x80xi32, #tpu.memory_space<vmem>> -> memref<2x80xi32, #tpu.memory_space<vmem>>
        %dma_start3A_220 = arith.constant 0 : i32
        %dma_start3A_221 = tpu.memref_slice %dma_start3A_219[%dma_start3A_206, %dma_start3A_220] : memref<2x80xi32, #tpu.memory_space<vmem>> -> memref<1x80xi32, #tpu.memory_space<vmem>>
        %dma_start3A_222 = tpu.memref_squeeze %dma_start3A_221 : memref<1x80xi32, #tpu.memory_space<vmem>> -> memref<80xi32, #tpu.memory_space<vmem>>
        %dma_start3A_223 = arith.constant 0 : i32
        %dma_start3A_224 = arith.constant 0 : i32
        %dma_start3A_225 = tpu.memref_slice %arg9[%dma_start3A_223, %dma_start3A_224] : memref<20096x64xf32, #tpu.memory_space<vmem_shared>> -> memref<20096x64xf32, #tpu.memory_space<vmem_shared>>
        tpu.enqueue_indirect_dma source(%dma_start3A_215 : memref<80x64xf32, #tpu.memory_space<vmem>>) target(%dma_start3A_225 : memref<20096x64xf32, #tpu.memory_space<vmem_shared>>) offsets(%dma_start3A_222 : memref<80xi32, #tpu.memory_space<vmem>>) semaphore(%arg12 : memref<!tpu.dma_semaphore, #tpu.memory_space<semaphore_mem>>) {add = true}
        %dma_wait3A_226 = arith.constant 1 : i32
        %dma_wait3A_227 = arith.constant 0 : i32
        %dma_wait3A_228 = arith.constant 0 : i32
        %dma_wait3A_229 = tpu.memref_slice %arg7[%dma_wait3A_226, %dma_wait3A_227, %dma_wait3A_228] : memref<2x2x80xi32, #tpu.memory_space<vmem>> -> memref<1x2x80xi32, #tpu.memory_space<vmem>>
        %dma_wait3A_230 = tpu.memref_squeeze %dma_wait3A_229 : memref<1x2x80xi32, #tpu.memory_space<vmem>> -> memref<2x80xi32, #tpu.memory_space<vmem>>
        %dma_wait3A_231 = arith.constant 0 : i32
        %dma_wait3A_232 = arith.constant 0 : i32
        %dma_wait3A_233 = tpu.memref_slice %arg4[%add3A_185, %dma_wait3A_231, %dma_wait3A_232] : memref<4000x2x80xi32, #tpu.memory_space<hbm>> -> memref<1x2x80xi32, #tpu.memory_space<hbm>>
        %dma_wait3A_234 = tpu.memref_squeeze %dma_wait3A_233 : memref<1x2x80xi32, #tpu.memory_space<hbm>> -> memref<2x80xi32, #tpu.memory_space<hbm>>
        %dma_wait3A_235 = arith.constant 0 : i32
        %dma_wait3A_236 = arith.constant 0 : i32
        %dma_wait3A_237 = tpu.memref_slice %arg7[%dma_wait3A_226, %dma_wait3A_235, %dma_wait3A_236] : memref<2x2x80xi32, #tpu.memory_space<vmem>> -> memref<1x2x80xi32, #tpu.memory_space<vmem>>
        %dma_wait3A_238 = tpu.memref_squeeze %dma_wait3A_237 : memref<1x2x80xi32, #tpu.memory_space<vmem>> -> memref<2x80xi32, #tpu.memory_space<vmem>>
        %dma_wait3A_239 = arith.constant 0 : i32
        %dma_wait3A_240 = arith.constant 0 : i32
        %dma_wait3A_241 = tpu.memref_slice %arg4[%add3A_185, %dma_wait3A_239, %dma_wait3A_240] : memref<4000x2x80xi32, #tpu.memory_space<hbm>> -> memref<1x2x80xi32, #tpu.memory_space<hbm>>
        %dma_wait3A_242 = tpu.memref_squeeze %dma_wait3A_241 : memref<1x2x80xi32, #tpu.memory_space<hbm>> -> memref<2x80xi32, #tpu.memory_space<hbm>>
        tpu.wait_dma2 semaphore(%arg13 : memref<!tpu.dma_semaphore, #tpu.memory_space<semaphore_mem>>) src(%dma_wait3A_242 : memref<2x80xi32, #tpu.memory_space<hbm>>) dst(%dma_wait3A_238 : memref<2x80xi32, #tpu.memory_space<vmem>>)
        %dma_start3A_243 = arith.constant 1 : i32
        %dma_start3A_244 = arith.constant 0 : i32
        %dma_start3A_245 = arith.constant 1 : i32
        %dma_start3A_246 = arith.constant 0 : i32
        %dma_start3A_247 = arith.constant 0 : i32
        %dma_start3A_248 = arith.constant 0 : i32
        %dma_start3A_249 = arith.constant 0 : i32
        %dma_start3A_250 = tpu.memref_slice %arg8[%dma_start3A_245, %dma_start3A_247, %dma_start3A_248, %dma_start3A_249] : memref<2x1x80x64xf32, #tpu.memory_space<vmem>> -> memref<1x1x80x64xf32, #tpu.memory_space<vmem>>
        %dma_start3A_251 = tpu.memref_squeeze %dma_start3A_250 : memref<1x1x80x64xf32, #tpu.memory_space<vmem>> -> memref<1x80x64xf32, #tpu.memory_space<vmem>>
        %dma_start3A_252 = arith.constant 0 : i32
        %dma_start3A_253 = arith.constant 0 : i32
        %dma_start3A_254 = tpu.memref_slice %dma_start3A_251[%dma_start3A_246, %dma_start3A_252, %dma_start3A_253] : memref<1x80x64xf32, #tpu.memory_space<vmem>> -> memref<1x80x64xf32, #tpu.memory_space<vmem>>
        %dma_start3A_255 = tpu.memref_squeeze %dma_start3A_254 : memref<1x80x64xf32, #tpu.memory_space<vmem>> -> memref<80x64xf32, #tpu.memory_space<vmem>>
        %dma_start3A_256 = arith.constant 0 : i32
        %dma_start3A_257 = arith.constant 0 : i32
        %dma_start3A_258 = tpu.memref_slice %arg7[%dma_start3A_243, %dma_start3A_256, %dma_start3A_257] : memref<2x2x80xi32, #tpu.memory_space<vmem>> -> memref<1x2x80xi32, #tpu.memory_space<vmem>>
        %dma_start3A_259 = tpu.memref_squeeze %dma_start3A_258 : memref<1x2x80xi32, #tpu.memory_space<vmem>> -> memref<2x80xi32, #tpu.memory_space<vmem>>
        %dma_start3A_260 = arith.constant 0 : i32
        %dma_start3A_261 = tpu.memref_slice %dma_start3A_259[%dma_start3A_244, %dma_start3A_260] : memref<2x80xi32, #tpu.memory_space<vmem>> -> memref<1x80xi32, #tpu.memory_space<vmem>>
        %dma_start3A_262 = tpu.memref_squeeze %dma_start3A_261 : memref<1x80xi32, #tpu.memory_space<vmem>> -> memref<80xi32, #tpu.memory_space<vmem>>
        %dma_start3A_263 = arith.constant 0 : i32
        %dma_start3A_264 = arith.constant 0 : i32
        %dma_start3A_265 = tpu.memref_slice %arg10[%dma_start3A_263, %dma_start3A_264] : memref<10000x64xf32, #tpu.memory_space<vmem_shared>> -> memref<10000x64xf32, #tpu.memory_space<vmem_shared>>
        tpu.enqueue_indirect_dma source(%dma_start3A_265 : memref<10000x64xf32, #tpu.memory_space<vmem_shared>>) target(%dma_start3A_255 : memref<80x64xf32, #tpu.memory_space<vmem>>) offsets(%dma_start3A_262 : memref<80xi32, #tpu.memory_space<vmem>>) semaphore(%arg11 : memref<!tpu.dma_semaphore, #tpu.memory_space<semaphore_mem>>)
      } else {
      }
      %eq3A_134 = arith.constant 249 : i32
      %eq3A_135 = arith.cmpi eq, %mul3A_102, %eq3A_134 : i32
      %convert_element_type3A_136 = arith.extui %eq3A_135 : i1 to i32
      %cond3A_137 = arith.constant 0 : i32
      %cond3A_138 = arith.cmpi ne, %convert_element_type3A_136, %cond3A_137 : i32
      scf.if %cond3A_138 {
        %dma_start3A_181 = arith.constant 0 : i32
        %dma_start3A_182 = arith.constant 0 : i32
        %dma_start3A_183 = arith.constant 0 : i32
        %dma_start3A_184 = arith.constant 1 : i32
        %dma_start3A_185 = arith.constant 0 : i32
        %dma_start3A_186 = arith.constant 0 : i32
        %dma_start3A_187 = arith.constant 0 : i32
        %dma_start3A_188 = tpu.memref_slice %arg8[%dma_start3A_181, %dma_start3A_185, %dma_start3A_186, %dma_start3A_187] : memref<2x1x80x64xf32, #tpu.memory_space<vmem>> -> memref<1x1x80x64xf32, #tpu.memory_space<vmem>>
        %dma_start3A_189 = tpu.memref_squeeze %dma_start3A_188 : memref<1x1x80x64xf32, #tpu.memory_space<vmem>> -> memref<1x80x64xf32, #tpu.memory_space<vmem>>
        %dma_start3A_190 = arith.constant 0 : i32
        %dma_start3A_191 = arith.constant 0 : i32
        %dma_start3A_192 = tpu.memref_slice %dma_start3A_189[%dma_start3A_182, %dma_start3A_190, %dma_start3A_191] : memref<1x80x64xf32, #tpu.memory_space<vmem>> -> memref<1x80x64xf32, #tpu.memory_space<vmem>>
        %dma_start3A_193 = tpu.memref_squeeze %dma_start3A_192 : memref<1x80x64xf32, #tpu.memory_space<vmem>> -> memref<80x64xf32, #tpu.memory_space<vmem>>
        %dma_start3A_194 = arith.constant 0 : i32
        %dma_start3A_195 = arith.constant 0 : i32
        %dma_start3A_196 = tpu.memref_slice %arg7[%dma_start3A_183, %dma_start3A_194, %dma_start3A_195] : memref<2x2x80xi32, #tpu.memory_space<vmem>> -> memref<1x2x80xi32, #tpu.memory_space<vmem>>
        %dma_start3A_197 = tpu.memref_squeeze %dma_start3A_196 : memref<1x2x80xi32, #tpu.memory_space<vmem>> -> memref<2x80xi32, #tpu.memory_space<vmem>>
        %dma_start3A_198 = arith.constant 0 : i32
        %dma_start3A_199 = tpu.memref_slice %dma_start3A_197[%dma_start3A_184, %dma_start3A_198] : memref<2x80xi32, #tpu.memory_space<vmem>> -> memref<1x80xi32, #tpu.memory_space<vmem>>
        %dma_start3A_200 = tpu.memref_squeeze %dma_start3A_199 : memref<1x80xi32, #tpu.memory_space<vmem>> -> memref<80xi32, #tpu.memory_space<vmem>>
        %dma_start3A_201 = arith.constant 0 : i32
        %dma_start3A_202 = arith.constant 0 : i32
        %dma_start3A_203 = tpu.memref_slice %arg9[%dma_start3A_201, %dma_start3A_202] : memref<20096x64xf32, #tpu.memory_space<vmem_shared>> -> memref<20096x64xf32, #tpu.memory_space<vmem_shared>>
        tpu.enqueue_indirect_dma source(%dma_start3A_193 : memref<80x64xf32, #tpu.memory_space<vmem>>) target(%dma_start3A_203 : memref<20096x64xf32, #tpu.memory_space<vmem_shared>>) offsets(%dma_start3A_200 : memref<80xi32, #tpu.memory_space<vmem>>) semaphore(%arg12 : memref<!tpu.dma_semaphore, #tpu.memory_space<semaphore_mem>>) {add = true}
      } else {
      }
      %mul3A_139 = arith.constant 2 : i32
      %mul3A_140 = arith.muli %mul3A_139, %scan3A_99 : i32
      %add3A = arith.constant 1 : i32
      %add3A_141 = arith.addi %mul3A_140, %add3A : i32
      %dma_wait3A_142 = arith.constant 1 : i32
      %dma_wait3A_143 = arith.constant 0 : i32
      %dma_wait3A_144 = arith.constant 1 : i32
      %dma_wait3A_145 = arith.constant 0 : i32
      %dma_wait3A_146 = arith.constant 0 : i32
      %dma_wait3A_147 = arith.constant 0 : i32
      %dma_wait3A_148 = arith.constant 0 : i32
      %dma_wait3A_149 = tpu.memref_slice %arg8[%dma_wait3A_144, %dma_wait3A_146, %dma_wait3A_147, %dma_wait3A_148] : memref<2x1x80x64xf32, #tpu.memory_space<vmem>> -> memref<1x1x80x64xf32, #tpu.memory_space<vmem>>
      %dma_wait3A_150 = tpu.memref_squeeze %dma_wait3A_149 : memref<1x1x80x64xf32, #tpu.memory_space<vmem>> -> memref<1x80x64xf32, #tpu.memory_space<vmem>>
      %dma_wait3A_151 = arith.constant 0 : i32
      %dma_wait3A_152 = arith.constant 0 : i32
      %dma_wait3A_153 = tpu.memref_slice %dma_wait3A_150[%dma_wait3A_145, %dma_wait3A_151, %dma_wait3A_152] : memref<1x80x64xf32, #tpu.memory_space<vmem>> -> memref<1x80x64xf32, #tpu.memory_space<vmem>>
      %dma_wait3A_154 = tpu.memref_squeeze %dma_wait3A_153 : memref<1x80x64xf32, #tpu.memory_space<vmem>> -> memref<80x64xf32, #tpu.memory_space<vmem>>
      %dma_wait3A_155 = arith.constant 0 : i32
      %dma_wait3A_156 = arith.constant 0 : i32
      %dma_wait3A_157 = tpu.memref_slice %arg7[%dma_wait3A_142, %dma_wait3A_155, %dma_wait3A_156] : memref<2x2x80xi32, #tpu.memory_space<vmem>> -> memref<1x2x80xi32, #tpu.memory_space<vmem>>
      %dma_wait3A_158 = tpu.memref_squeeze %dma_wait3A_157 : memref<1x2x80xi32, #tpu.memory_space<vmem>> -> memref<2x80xi32, #tpu.memory_space<vmem>>
      %dma_wait3A_159 = arith.constant 0 : i32
      %dma_wait3A_160 = tpu.memref_slice %dma_wait3A_158[%dma_wait3A_143, %dma_wait3A_159] : memref<2x80xi32, #tpu.memory_space<vmem>> -> memref<1x80xi32, #tpu.memory_space<vmem>>
      %dma_wait3A_161 = tpu.memref_squeeze %dma_wait3A_160 : memref<1x80xi32, #tpu.memory_space<vmem>> -> memref<80xi32, #tpu.memory_space<vmem>>
      %dma_wait3A_162 = arith.constant 0 : i32
      %dma_wait3A_163 = arith.constant 0 : i32
      %dma_wait3A_164 = tpu.memref_slice %arg10[%dma_wait3A_162, %dma_wait3A_163] : memref<10000x64xf32, #tpu.memory_space<vmem_shared>> -> memref<10000x64xf32, #tpu.memory_space<vmem_shared>>
      tpu.wait_indirect_dma semaphore(%arg11 : memref<!tpu.dma_semaphore, #tpu.memory_space<semaphore_mem>>) src(%dma_wait3A_164 : memref<10000x64xf32, #tpu.memory_space<vmem_shared>>) dst(%dma_wait3A_154 : memref<80x64xf32, #tpu.memory_space<vmem>>)
      %ge3A_165 = arith.constant 1 : i32
      %ge3A_166 = arith.cmpi sge, %add3A_141, %ge3A_165 : i32
      %convert_element_type3A_167 = arith.extui %ge3A_166 : i1 to i32
      %cond3A_168 = arith.constant 0 : i32
      %cond3A_169 = arith.cmpi ne, %convert_element_type3A_167, %cond3A_168 : i32
      scf.if %cond3A_169 {
        %dma_wait3A_181 = arith.constant 0 : i32
        %dma_wait3A_182 = arith.constant 0 : i32
        %dma_wait3A_183 = arith.constant 0 : i32
        %dma_wait3A_184 = arith.constant 1 : i32
        %dma_wait3A_185 = arith.constant 0 : i32
        %dma_wait3A_186 = arith.constant 0 : i32
        %dma_wait3A_187 = arith.constant 0 : i32
        %dma_wait3A_188 = tpu.memref_slice %arg8[%dma_wait3A_181, %dma_wait3A_185, %dma_wait3A_186, %dma_wait3A_187] : memref<2x1x80x64xf32, #tpu.memory_space<vmem>> -> memref<1x1x80x64xf32, #tpu.memory_space<vmem>>
        %dma_wait3A_189 = tpu.memref_squeeze %dma_wait3A_188 : memref<1x1x80x64xf32, #tpu.memory_space<vmem>> -> memref<1x80x64xf32, #tpu.memory_space<vmem>>
        %dma_wait3A_190 = arith.constant 0 : i32
        %dma_wait3A_191 = arith.constant 0 : i32
        %dma_wait3A_192 = tpu.memref_slice %dma_wait3A_189[%dma_wait3A_182, %dma_wait3A_190, %dma_wait3A_191] : memref<1x80x64xf32, #tpu.memory_space<vmem>> -> memref<1x80x64xf32, #tpu.memory_space<vmem>>
        %dma_wait3A_193 = tpu.memref_squeeze %dma_wait3A_192 : memref<1x80x64xf32, #tpu.memory_space<vmem>> -> memref<80x64xf32, #tpu.memory_space<vmem>>
        %dma_wait3A_194 = arith.constant 0 : i32
        %dma_wait3A_195 = arith.constant 0 : i32
        %dma_wait3A_196 = tpu.memref_slice %arg7[%dma_wait3A_183, %dma_wait3A_194, %dma_wait3A_195] : memref<2x2x80xi32, #tpu.memory_space<vmem>> -> memref<1x2x80xi32, #tpu.memory_space<vmem>>
        %dma_wait3A_197 = tpu.memref_squeeze %dma_wait3A_196 : memref<1x2x80xi32, #tpu.memory_space<vmem>> -> memref<2x80xi32, #tpu.memory_space<vmem>>
        %dma_wait3A_198 = arith.constant 0 : i32
        %dma_wait3A_199 = tpu.memref_slice %dma_wait3A_197[%dma_wait3A_184, %dma_wait3A_198] : memref<2x80xi32, #tpu.memory_space<vmem>> -> memref<1x80xi32, #tpu.memory_space<vmem>>
        %dma_wait3A_200 = tpu.memref_squeeze %dma_wait3A_199 : memref<1x80xi32, #tpu.memory_space<vmem>> -> memref<80xi32, #tpu.memory_space<vmem>>
        %dma_wait3A_201 = arith.constant 0 : i32
        %dma_wait3A_202 = arith.constant 0 : i32
        %dma_wait3A_203 = tpu.memref_slice %arg9[%dma_wait3A_201, %dma_wait3A_202] : memref<20096x64xf32, #tpu.memory_space<vmem_shared>> -> memref<20096x64xf32, #tpu.memory_space<vmem_shared>>
        tpu.wait_indirect_dma semaphore(%arg12 : memref<!tpu.dma_semaphore, #tpu.memory_space<semaphore_mem>>) src(%dma_wait3A_193 : memref<80x64xf32, #tpu.memory_space<vmem>>) dst(%dma_wait3A_203 : memref<20096x64xf32, #tpu.memory_space<vmem_shared>>)
      } else {
      }
      %le3A_170 = arith.constant 248 : i32
      %le3A_171 = arith.cmpi sle, %add3A_141, %le3A_170 : i32
      %convert_element_type3A_172 = arith.extui %le3A_171 : i1 to i32
      %cond3A_173 = arith.constant 0 : i32
      %cond3A_174 = arith.cmpi ne, %convert_element_type3A_172, %cond3A_173 : i32
      scf.if %cond3A_174 {
        %mul3A_181 = arith.constant 250 : i32
        %mul3A_182 = arith.muli %arg1, %mul3A_181 : i32
        %add3A_183 = arith.addi %mul3A_182, %add3A_141 : i32
        %add3A_184 = arith.constant 1 : i32
        %add3A_185 = arith.addi %add3A_183, %add3A_184 : i32
        %dma_start3A_186 = arith.constant 0 : i32
        %dma_start3A_187 = arith.constant 0 : i32
        %dma_start3A_188 = arith.constant 0 : i32
        %dma_start3A_189 = tpu.memref_slice %arg7[%dma_start3A_186, %dma_start3A_187, %dma_start3A_188] : memref<2x2x80xi32, #tpu.memory_space<vmem>> -> memref<1x2x80xi32, #tpu.memory_space<vmem>>
        %dma_start3A_190 = tpu.memref_squeeze %dma_start3A_189 : memref<1x2x80xi32, #tpu.memory_space<vmem>> -> memref<2x80xi32, #tpu.memory_space<vmem>>
        %dma_start3A_191 = arith.constant 0 : i32
        %dma_start3A_192 = arith.constant 0 : i32
        %dma_start3A_193 = tpu.memref_slice %arg4[%add3A_185, %dma_start3A_191, %dma_start3A_192] : memref<4000x2x80xi32, #tpu.memory_space<hbm>> -> memref<1x2x80xi32, #tpu.memory_space<hbm>>
        %dma_start3A_194 = tpu.memref_squeeze %dma_start3A_193 : memref<1x2x80xi32, #tpu.memory_space<hbm>> -> memref<2x80xi32, #tpu.memory_space<hbm>>
        %dma_start3A_195 = arith.constant 0 : i32
        %dma_start3A_196 = arith.constant 0 : i32
        %dma_start3A_197 = tpu.memref_slice %arg7[%dma_start3A_186, %dma_start3A_195, %dma_start3A_196] : memref<2x2x80xi32, #tpu.memory_space<vmem>> -> memref<1x2x80xi32, #tpu.memory_space<vmem>>
        %dma_start3A_198 = tpu.memref_squeeze %dma_start3A_197 : memref<1x2x80xi32, #tpu.memory_space<vmem>> -> memref<2x80xi32, #tpu.memory_space<vmem>>
        %dma_start3A_199 = arith.constant 0 : i32
        %dma_start3A_200 = arith.constant 0 : i32
        %dma_start3A_201 = tpu.memref_slice %arg4[%add3A_185, %dma_start3A_199, %dma_start3A_200] : memref<4000x2x80xi32, #tpu.memory_space<hbm>> -> memref<1x2x80xi32, #tpu.memory_space<hbm>>
        %dma_start3A_202 = tpu.memref_squeeze %dma_start3A_201 : memref<1x2x80xi32, #tpu.memory_space<hbm>> -> memref<2x80xi32, #tpu.memory_space<hbm>>
        tpu.enqueue_dma source(%dma_start3A_202 : memref<2x80xi32, #tpu.memory_space<hbm>>) target(%dma_start3A_198 : memref<2x80xi32, #tpu.memory_space<vmem>>) target_semaphore(%arg13 : memref<!tpu.dma_semaphore, #tpu.memory_space<semaphore_mem>>)
        %dma_start3A_203 = arith.constant 1 : i32
        %dma_start3A_204 = arith.constant 0 : i32
        %dma_start3A_205 = arith.constant 1 : i32
        %dma_start3A_206 = arith.constant 1 : i32
        %dma_start3A_207 = arith.constant 0 : i32
        %dma_start3A_208 = arith.constant 0 : i32
        %dma_start3A_209 = arith.constant 0 : i32
        %dma_start3A_210 = tpu.memref_slice %arg8[%dma_start3A_203, %dma_start3A_207, %dma_start3A_208, %dma_start3A_209] : memref<2x1x80x64xf32, #tpu.memory_space<vmem>> -> memref<1x1x80x64xf32, #tpu.memory_space<vmem>>
        %dma_start3A_211 = tpu.memref_squeeze %dma_start3A_210 : memref<1x1x80x64xf32, #tpu.memory_space<vmem>> -> memref<1x80x64xf32, #tpu.memory_space<vmem>>
        %dma_start3A_212 = arith.constant 0 : i32
        %dma_start3A_213 = arith.constant 0 : i32
        %dma_start3A_214 = tpu.memref_slice %dma_start3A_211[%dma_start3A_204, %dma_start3A_212, %dma_start3A_213] : memref<1x80x64xf32, #tpu.memory_space<vmem>> -> memref<1x80x64xf32, #tpu.memory_space<vmem>>
        %dma_start3A_215 = tpu.memref_squeeze %dma_start3A_214 : memref<1x80x64xf32, #tpu.memory_space<vmem>> -> memref<80x64xf32, #tpu.memory_space<vmem>>
        %dma_start3A_216 = arith.constant 0 : i32
        %dma_start3A_217 = arith.constant 0 : i32
        %dma_start3A_218 = tpu.memref_slice %arg7[%dma_start3A_205, %dma_start3A_216, %dma_start3A_217] : memref<2x2x80xi32, #tpu.memory_space<vmem>> -> memref<1x2x80xi32, #tpu.memory_space<vmem>>
        %dma_start3A_219 = tpu.memref_squeeze %dma_start3A_218 : memref<1x2x80xi32, #tpu.memory_space<vmem>> -> memref<2x80xi32, #tpu.memory_space<vmem>>
        %dma_start3A_220 = arith.constant 0 : i32
        %dma_start3A_221 = tpu.memref_slice %dma_start3A_219[%dma_start3A_206, %dma_start3A_220] : memref<2x80xi32, #tpu.memory_space<vmem>> -> memref<1x80xi32, #tpu.memory_space<vmem>>
        %dma_start3A_222 = tpu.memref_squeeze %dma_start3A_221 : memref<1x80xi32, #tpu.memory_space<vmem>> -> memref<80xi32, #tpu.memory_space<vmem>>
        %dma_start3A_223 = arith.constant 0 : i32
        %dma_start3A_224 = arith.constant 0 : i32
        %dma_start3A_225 = tpu.memref_slice %arg9[%dma_start3A_223, %dma_start3A_224] : memref<20096x64xf32, #tpu.memory_space<vmem_shared>> -> memref<20096x64xf32, #tpu.memory_space<vmem_shared>>
        tpu.enqueue_indirect_dma source(%dma_start3A_215 : memref<80x64xf32, #tpu.memory_space<vmem>>) target(%dma_start3A_225 : memref<20096x64xf32, #tpu.memory_space<vmem_shared>>) offsets(%dma_start3A_222 : memref<80xi32, #tpu.memory_space<vmem>>) semaphore(%arg12 : memref<!tpu.dma_semaphore, #tpu.memory_space<semaphore_mem>>) {add = true}
        %dma_wait3A_226 = arith.constant 0 : i32
        %dma_wait3A_227 = arith.constant 0 : i32
        %dma_wait3A_228 = arith.constant 0 : i32
        %dma_wait3A_229 = tpu.memref_slice %arg7[%dma_wait3A_226, %dma_wait3A_227, %dma_wait3A_228] : memref<2x2x80xi32, #tpu.memory_space<vmem>> -> memref<1x2x80xi32, #tpu.memory_space<vmem>>
        %dma_wait3A_230 = tpu.memref_squeeze %dma_wait3A_229 : memref<1x2x80xi32, #tpu.memory_space<vmem>> -> memref<2x80xi32, #tpu.memory_space<vmem>>
        %dma_wait3A_231 = arith.constant 0 : i32
        %dma_wait3A_232 = arith.constant 0 : i32
        %dma_wait3A_233 = tpu.memref_slice %arg4[%add3A_185, %dma_wait3A_231, %dma_wait3A_232] : memref<4000x2x80xi32, #tpu.memory_space<hbm>> -> memref<1x2x80xi32, #tpu.memory_space<hbm>>
        %dma_wait3A_234 = tpu.memref_squeeze %dma_wait3A_233 : memref<1x2x80xi32, #tpu.memory_space<hbm>> -> memref<2x80xi32, #tpu.memory_space<hbm>>
        %dma_wait3A_235 = arith.constant 0 : i32
        %dma_wait3A_236 = arith.constant 0 : i32
        %dma_wait3A_237 = tpu.memref_slice %arg7[%dma_wait3A_226, %dma_wait3A_235, %dma_wait3A_236] : memref<2x2x80xi32, #tpu.memory_space<vmem>> -> memref<1x2x80xi32, #tpu.memory_space<vmem>>
        %dma_wait3A_238 = tpu.memref_squeeze %dma_wait3A_237 : memref<1x2x80xi32, #tpu.memory_space<vmem>> -> memref<2x80xi32, #tpu.memory_space<vmem>>
        %dma_wait3A_239 = arith.constant 0 : i32
        %dma_wait3A_240 = arith.constant 0 : i32
        %dma_wait3A_241 = tpu.memref_slice %arg4[%add3A_185, %dma_wait3A_239, %dma_wait3A_240] : memref<4000x2x80xi32, #tpu.memory_space<hbm>> -> memref<1x2x80xi32, #tpu.memory_space<hbm>>
        %dma_wait3A_242 = tpu.memref_squeeze %dma_wait3A_241 : memref<1x2x80xi32, #tpu.memory_space<hbm>> -> memref<2x80xi32, #tpu.memory_space<hbm>>
        tpu.wait_dma2 semaphore(%arg13 : memref<!tpu.dma_semaphore, #tpu.memory_space<semaphore_mem>>) src(%dma_wait3A_242 : memref<2x80xi32, #tpu.memory_space<hbm>>) dst(%dma_wait3A_238 : memref<2x80xi32, #tpu.memory_space<vmem>>)
        %dma_start3A_243 = arith.constant 0 : i32
        %dma_start3A_244 = arith.constant 0 : i32
        %dma_start3A_245 = arith.constant 0 : i32
        %dma_start3A_246 = arith.constant 0 : i32
        %dma_start3A_247 = arith.constant 0 : i32
        %dma_start3A_248 = arith.constant 0 : i32
        %dma_start3A_249 = arith.constant 0 : i32
        %dma_start3A_250 = tpu.memref_slice %arg8[%dma_start3A_245, %dma_start3A_247, %dma_start3A_248, %dma_start3A_249] : memref<2x1x80x64xf32, #tpu.memory_space<vmem>> -> memref<1x1x80x64xf32, #tpu.memory_space<vmem>>
        %dma_start3A_251 = tpu.memref_squeeze %dma_start3A_250 : memref<1x1x80x64xf32, #tpu.memory_space<vmem>> -> memref<1x80x64xf32, #tpu.memory_space<vmem>>
        %dma_start3A_252 = arith.constant 0 : i32
        %dma_start3A_253 = arith.constant 0 : i32
        %dma_start3A_254 = tpu.memref_slice %dma_start3A_251[%dma_start3A_246, %dma_start3A_252, %dma_start3A_253] : memref<1x80x64xf32, #tpu.memory_space<vmem>> -> memref<1x80x64xf32, #tpu.memory_space<vmem>>
        %dma_start3A_255 = tpu.memref_squeeze %dma_start3A_254 : memref<1x80x64xf32, #tpu.memory_space<vmem>> -> memref<80x64xf32, #tpu.memory_space<vmem>>
        %dma_start3A_256 = arith.constant 0 : i32
        %dma_start3A_257 = arith.constant 0 : i32
        %dma_start3A_258 = tpu.memref_slice %arg7[%dma_start3A_243, %dma_start3A_256, %dma_start3A_257] : memref<2x2x80xi32, #tpu.memory_space<vmem>> -> memref<1x2x80xi32, #tpu.memory_space<vmem>>
        %dma_start3A_259 = tpu.memref_squeeze %dma_start3A_258 : memref<1x2x80xi32, #tpu.memory_space<vmem>> -> memref<2x80xi32, #tpu.memory_space<vmem>>
        %dma_start3A_260 = arith.constant 0 : i32
        %dma_start3A_261 = tpu.memref_slice %dma_start3A_259[%dma_start3A_244, %dma_start3A_260] : memref<2x80xi32, #tpu.memory_space<vmem>> -> memref<1x80xi32, #tpu.memory_space<vmem>>
        %dma_start3A_262 = tpu.memref_squeeze %dma_start3A_261 : memref<1x80xi32, #tpu.memory_space<vmem>> -> memref<80xi32, #tpu.memory_space<vmem>>
        %dma_start3A_263 = arith.constant 0 : i32
        %dma_start3A_264 = arith.constant 0 : i32
        %dma_start3A_265 = tpu.memref_slice %arg10[%dma_start3A_263, %dma_start3A_264] : memref<10000x64xf32, #tpu.memory_space<vmem_shared>> -> memref<10000x64xf32, #tpu.memory_space<vmem_shared>>
        tpu.enqueue_indirect_dma source(%dma_start3A_265 : memref<10000x64xf32, #tpu.memory_space<vmem_shared>>) target(%dma_start3A_255 : memref<80x64xf32, #tpu.memory_space<vmem>>) offsets(%dma_start3A_262 : memref<80xi32, #tpu.memory_space<vmem>>) semaphore(%arg11 : memref<!tpu.dma_semaphore, #tpu.memory_space<semaphore_mem>>)
      } else {
      }
      %eq3A_175 = arith.constant 249 : i32
      %eq3A_176 = arith.cmpi eq, %add3A_141, %eq3A_175 : i32
      %convert_element_type3A_177 = arith.extui %eq3A_176 : i1 to i32
      %cond3A_178 = arith.constant 0 : i32
      %cond3A_179 = arith.cmpi ne, %convert_element_type3A_177, %cond3A_178 : i32
      scf.if %cond3A_179 {
        %dma_start3A_181 = arith.constant 1 : i32
        %dma_start3A_182 = arith.constant 0 : i32
        %dma_start3A_183 = arith.constant 1 : i32
        %dma_start3A_184 = arith.constant 1 : i32
        %dma_start3A_185 = arith.constant 0 : i32
        %dma_start3A_186 = arith.constant 0 : i32
        %dma_start3A_187 = arith.constant 0 : i32
        %dma_start3A_188 = tpu.memref_slice %arg8[%dma_start3A_181, %dma_start3A_185, %dma_start3A_186, %dma_start3A_187] : memref<2x1x80x64xf32, #tpu.memory_space<vmem>> -> memref<1x1x80x64xf32, #tpu.memory_space<vmem>>
        %dma_start3A_189 = tpu.memref_squeeze %dma_start3A_188 : memref<1x1x80x64xf32, #tpu.memory_space<vmem>> -> memref<1x80x64xf32, #tpu.memory_space<vmem>>
        %dma_start3A_190 = arith.constant 0 : i32
        %dma_start3A_191 = arith.constant 0 : i32
        %dma_start3A_192 = tpu.memref_slice %dma_start3A_189[%dma_start3A_182, %dma_start3A_190, %dma_start3A_191] : memref<1x80x64xf32, #tpu.memory_space<vmem>> -> memref<1x80x64xf32, #tpu.memory_space<vmem>>
        %dma_start3A_193 = tpu.memref_squeeze %dma_start3A_192 : memref<1x80x64xf32, #tpu.memory_space<vmem>> -> memref<80x64xf32, #tpu.memory_space<vmem>>
        %dma_start3A_194 = arith.constant 0 : i32
        %dma_start3A_195 = arith.constant 0 : i32
        %dma_start3A_196 = tpu.memref_slice %arg7[%dma_start3A_183, %dma_start3A_194, %dma_start3A_195] : memref<2x2x80xi32, #tpu.memory_space<vmem>> -> memref<1x2x80xi32, #tpu.memory_space<vmem>>
        %dma_start3A_197 = tpu.memref_squeeze %dma_start3A_196 : memref<1x2x80xi32, #tpu.memory_space<vmem>> -> memref<2x80xi32, #tpu.memory_space<vmem>>
        %dma_start3A_198 = arith.constant 0 : i32
        %dma_start3A_199 = tpu.memref_slice %dma_start3A_197[%dma_start3A_184, %dma_start3A_198] : memref<2x80xi32, #tpu.memory_space<vmem>> -> memref<1x80xi32, #tpu.memory_space<vmem>>
        %dma_start3A_200 = tpu.memref_squeeze %dma_start3A_199 : memref<1x80xi32, #tpu.memory_space<vmem>> -> memref<80xi32, #tpu.memory_space<vmem>>
        %dma_start3A_201 = arith.constant 0 : i32
        %dma_start3A_202 = arith.constant 0 : i32
        %dma_start3A_203 = tpu.memref_slice %arg9[%dma_start3A_201, %dma_start3A_202] : memref<20096x64xf32, #tpu.memory_space<vmem_shared>> -> memref<20096x64xf32, #tpu.memory_space<vmem_shared>>
        tpu.enqueue_indirect_dma source(%dma_start3A_193 : memref<80x64xf32, #tpu.memory_space<vmem>>) target(%dma_start3A_203 : memref<20096x64xf32, #tpu.memory_space<vmem_shared>>) offsets(%dma_start3A_200 : memref<80xi32, #tpu.memory_space<vmem>>) semaphore(%arg12 : memref<!tpu.dma_semaphore, #tpu.memory_space<semaphore_mem>>) {add = true}
      } else {
      }
      %scan3A_180 = arith.constant 0 : i32
      scf.yield %scan3A_180 : i32
    }
    %scan3A_70 = arith.constant 125 : i32
    %dma_wait3A_71 = arith.constant 1 : i32
    %dma_wait3A_72 = arith.constant 0 : i32
    %dma_wait3A_73 = arith.constant 1 : i32
    %dma_wait3A_74 = arith.constant 1 : i32
    %dma_wait3A_75 = arith.constant 0 : i32
    %dma_wait3A_76 = arith.constant 0 : i32
    %dma_wait3A_77 = arith.constant 0 : i32
    %dma_wait3A_78 = tpu.memref_slice %arg8[%dma_wait3A_71, %dma_wait3A_75, %dma_wait3A_76, %dma_wait3A_77] : memref<2x1x80x64xf32, #tpu.memory_space<vmem>> -> memref<1x1x80x64xf32, #tpu.memory_space<vmem>>
    %dma_wait3A_79 = tpu.memref_squeeze %dma_wait3A_78 : memref<1x1x80x64xf32, #tpu.memory_space<vmem>> -> memref<1x80x64xf32, #tpu.memory_space<vmem>>
    %dma_wait3A_80 = arith.constant 0 : i32
    %dma_wait3A_81 = arith.constant 0 : i32
    %dma_wait3A_82 = tpu.memref_slice %dma_wait3A_79[%dma_wait3A_72, %dma_wait3A_80, %dma_wait3A_81] : memref<1x80x64xf32, #tpu.memory_space<vmem>> -> memref<1x80x64xf32, #tpu.memory_space<vmem>>
    %dma_wait3A_83 = tpu.memref_squeeze %dma_wait3A_82 : memref<1x80x64xf32, #tpu.memory_space<vmem>> -> memref<80x64xf32, #tpu.memory_space<vmem>>
    %dma_wait3A_84 = arith.constant 0 : i32
    %dma_wait3A_85 = arith.constant 0 : i32
    %dma_wait3A_86 = tpu.memref_slice %arg7[%dma_wait3A_73, %dma_wait3A_84, %dma_wait3A_85] : memref<2x2x80xi32, #tpu.memory_space<vmem>> -> memref<1x2x80xi32, #tpu.memory_space<vmem>>
    %dma_wait3A_87 = tpu.memref_squeeze %dma_wait3A_86 : memref<1x2x80xi32, #tpu.memory_space<vmem>> -> memref<2x80xi32, #tpu.memory_space<vmem>>
    %dma_wait3A_88 = arith.constant 0 : i32
    %dma_wait3A_89 = tpu.memref_slice %dma_wait3A_87[%dma_wait3A_74, %dma_wait3A_88] : memref<2x80xi32, #tpu.memory_space<vmem>> -> memref<1x80xi32, #tpu.memory_space<vmem>>
    %dma_wait3A_90 = tpu.memref_squeeze %dma_wait3A_89 : memref<1x80xi32, #tpu.memory_space<vmem>> -> memref<80xi32, #tpu.memory_space<vmem>>
    %dma_wait3A_91 = arith.constant 0 : i32
    %dma_wait3A_92 = arith.constant 0 : i32
    %dma_wait3A_93 = tpu.memref_slice %arg9[%dma_wait3A_91, %dma_wait3A_92] : memref<20096x64xf32, #tpu.memory_space<vmem_shared>> -> memref<20096x64xf32, #tpu.memory_space<vmem_shared>>
    tpu.wait_indirect_dma semaphore(%arg12 : memref<!tpu.dma_semaphore, #tpu.memory_space<semaphore_mem>>) src(%dma_wait3A_83 : memref<80x64xf32, #tpu.memory_space<vmem>>) dst(%dma_wait3A_93 : memref<20096x64xf32, #tpu.memory_space<vmem_shared>>)
    %barrier3A_94 = arith.constant 0 : index
    tpu.barrier barrier_id(%barrier3A_94)
    %mul3A_95 = arith.constant 1256 : i32
    %mul3A_96 = arith.muli %arg1, %mul3A_95 : i32
    %mul3A_97 = arith.constant 1256 : i32
    %mul3A_98 = arith.muli %arg1, %mul3A_97 : i32
    "tpu.region"() ({
      %run_scoped3A = tpu.sem_alloc : memref<!tpu.dma_semaphore, #tpu.memory_space<semaphore_mem>>
      %dma_start3A_99 = arith.constant 0 : i32
      %dma_start3A_100 = tpu.memref_slice %arg6[%arg0, %mul3A_98, %dma_start3A_99] : memref<2x20096x64xf32, #tpu.memory_space<hbm>> -> memref<1x1256x64xf32, #tpu.memory_space<hbm>>
      %dma_start3A_101 = tpu.memref_squeeze %dma_start3A_100 : memref<1x1256x64xf32, #tpu.memory_space<hbm>> -> memref<1256x64xf32, #tpu.memory_space<hbm>>
      %dma_start3A_102 = arith.constant 0 : i32
      %dma_start3A_103 = tpu.memref_slice %arg9[%mul3A_96, %dma_start3A_102] : memref<20096x64xf32, #tpu.memory_space<vmem_shared>> -> memref<1256x64xf32, #tpu.memory_space<vmem_shared>>
      tpu.enqueue_dma source(%dma_start3A_103 : memref<1256x64xf32, #tpu.memory_space<vmem_shared>>) target(%dma_start3A_101 : memref<1256x64xf32, #tpu.memory_space<hbm>>) target_semaphore(%run_scoped3A : memref<!tpu.dma_semaphore, #tpu.memory_space<semaphore_mem>>)
      %dma_wait3A_104 = arith.constant 0 : i32
      %dma_wait3A_105 = tpu.memref_slice %arg6[%arg0, %mul3A_98, %dma_wait3A_104] : memref<2x20096x64xf32, #tpu.memory_space<hbm>> -> memref<1x1256x64xf32, #tpu.memory_space<hbm>>
      %dma_wait3A_106 = tpu.memref_squeeze %dma_wait3A_105 : memref<1x1256x64xf32, #tpu.memory_space<hbm>> -> memref<1256x64xf32, #tpu.memory_space<hbm>>
      %dma_wait3A_107 = arith.constant 0 : i32
      %dma_wait3A_108 = tpu.memref_slice %arg9[%mul3A_96, %dma_wait3A_107] : memref<20096x64xf32, #tpu.memory_space<vmem_shared>> -> memref<1256x64xf32, #tpu.memory_space<vmem_shared>>
      tpu.wait_dma2 semaphore(%run_scoped3A : memref<!tpu.dma_semaphore, #tpu.memory_space<semaphore_mem>>) src(%dma_wait3A_108 : memref<1256x64xf32, #tpu.memory_space<vmem_shared>>) dst(%dma_wait3A_106 : memref<1256x64xf32, #tpu.memory_space<hbm>>)
      tpu.yield
    }) : () -> ()
    return
  }
}

module attributes {stable_mosaic.version = 14 : i64} {
  func.func @_tc_tail_body(%arg0: memref<2x20096x64xf32, #tpu.memory_space<vmem>>, %arg1: memref<2x128x128xf32, #tpu.memory_space<vmem>>, %arg2: memref<128x128xf32, #tpu.memory_space<vmem>>, %arg3: memref<1x128xf32, #tpu.memory_space<vmem>>, %arg4: memref<1x128xf32, #tpu.memory_space<vmem>>, %arg5: memref<1x128xf32, #tpu.memory_space<vmem>>, %arg6: memref<10000x128xf32, #tpu.memory_space<vmem>>) attributes {dimension_semantics = [], scalar_prefetch = 0 : i64, scratch_operands = 0 : i64, tpu.core_type = #tpu.core_type<tc>} {
    %broadcast_in_dim3A = arith.constant 0.000000e+00 : f32
    %broadcast_in_dim3A_0 = vector.broadcast %broadcast_in_dim3A : f32 to vector<10000x128xf32>
    %get3A = arith.constant 0 : index
    %get3A_1 = arith.constant 0 : index
    %get3A_2 = arith.constant 0 : index
    %get3A_3 = vector.load %arg0[%get3A, %get3A_1, %get3A_2] : memref<2x20096x64xf32, #tpu.memory_space<vmem>>, vector<1x10000x64xf32>
    %get3A_4 = vector.shape_cast %get3A_3 : vector<1x10000x64xf32> to vector<10000x64xf32>
    %get3A_5 = arith.constant 0 : index
    %get3A_6 = arith.constant 0 : index
    %get3A_7 = arith.constant 0 : index
    %get3A_8 = vector.load %arg1[%get3A_5, %get3A_6, %get3A_7] : memref<2x128x128xf32, #tpu.memory_space<vmem>>, vector<1x64x128xf32>
    %get3A_9 = vector.shape_cast %get3A_8 : vector<1x64x128xf32> to vector<64x128xf32>
    %dot_general3A = arith.constant dense<0.000000e+00> : vector<10000x128xf32>
    %dot_general3A_10 = tpu.matmul %get3A_4, %get3A_9, %dot_general3A {dimension_numbers = #tpu.dot_dimension_numbers<[1], [0], [0], [1], [0, 0, 1, 1], [], []>, transpose_lhs_hint = false} : vector<10000x64xf32>, vector<64x128xf32>, vector<10000x128xf32> -> vector<10000x128xf32>
    %add3A = arith.addf %broadcast_in_dim3A_0, %dot_general3A_10 : vector<10000x128xf32>
    %get3A_11 = arith.constant 1 : index
    %get3A_12 = arith.constant 0 : index
    %get3A_13 = arith.constant 0 : index
    %get3A_14 = vector.load %arg0[%get3A_11, %get3A_12, %get3A_13] : memref<2x20096x64xf32, #tpu.memory_space<vmem>>, vector<1x10000x64xf32>
    %get3A_15 = vector.shape_cast %get3A_14 : vector<1x10000x64xf32> to vector<10000x64xf32>
    %get3A_16 = arith.constant 0 : index
    %get3A_17 = arith.constant 64 : index
    %get3A_18 = arith.constant 0 : index
    %get3A_19 = vector.load %arg1[%get3A_16, %get3A_17, %get3A_18] : memref<2x128x128xf32, #tpu.memory_space<vmem>>, vector<1x64x128xf32>
    %get3A_20 = vector.shape_cast %get3A_19 : vector<1x64x128xf32> to vector<64x128xf32>
    %dot_general3A_21 = arith.constant dense<0.000000e+00> : vector<10000x128xf32>
    %dot_general3A_22 = tpu.matmul %get3A_15, %get3A_20, %dot_general3A_21 {dimension_numbers = #tpu.dot_dimension_numbers<[1], [0], [0], [1], [0, 0, 1, 1], [], []>, transpose_lhs_hint = false} : vector<10000x64xf32>, vector<64x128xf32>, vector<10000x128xf32> -> vector<10000x128xf32>
    %add3A_23 = arith.addf %add3A, %dot_general3A_22 : vector<10000x128xf32>
    %get3A_24 = arith.constant 0 : index
    %get3A_25 = arith.constant 10000 : index
    %get3A_26 = arith.constant 0 : index
    %get3A_27 = vector.load %arg0[%get3A_24, %get3A_25, %get3A_26] : memref<2x20096x64xf32, #tpu.memory_space<vmem>>, vector<1x10000x64xf32>
    %get3A_28 = vector.shape_cast %get3A_27 : vector<1x10000x64xf32> to vector<10000x64xf32>
    %get3A_29 = arith.constant 1 : index
    %get3A_30 = arith.constant 0 : index
    %get3A_31 = arith.constant 0 : index
    %get3A_32 = vector.load %arg1[%get3A_29, %get3A_30, %get3A_31] : memref<2x128x128xf32, #tpu.memory_space<vmem>>, vector<1x64x128xf32>
    %get3A_33 = vector.shape_cast %get3A_32 : vector<1x64x128xf32> to vector<64x128xf32>
    %dot_general3A_34 = arith.constant dense<0.000000e+00> : vector<10000x128xf32>
    %dot_general3A_35 = tpu.matmul %get3A_28, %get3A_33, %dot_general3A_34 {dimension_numbers = #tpu.dot_dimension_numbers<[1], [0], [0], [1], [0, 0, 1, 1], [], []>, transpose_lhs_hint = false} : vector<10000x64xf32>, vector<64x128xf32>, vector<10000x128xf32> -> vector<10000x128xf32>
    %add3A_36 = arith.addf %add3A_23, %dot_general3A_35 : vector<10000x128xf32>
    %get3A_37 = arith.constant 1 : index
    %get3A_38 = arith.constant 10000 : index
    %get3A_39 = arith.constant 0 : index
    %get3A_40 = vector.load %arg0[%get3A_37, %get3A_38, %get3A_39] : memref<2x20096x64xf32, #tpu.memory_space<vmem>>, vector<1x10000x64xf32>
    %get3A_41 = vector.shape_cast %get3A_40 : vector<1x10000x64xf32> to vector<10000x64xf32>
    %get3A_42 = arith.constant 1 : index
    %get3A_43 = arith.constant 64 : index
    %get3A_44 = arith.constant 0 : index
    %get3A_45 = vector.load %arg1[%get3A_42, %get3A_43, %get3A_44] : memref<2x128x128xf32, #tpu.memory_space<vmem>>, vector<1x64x128xf32>
    %get3A_46 = vector.shape_cast %get3A_45 : vector<1x64x128xf32> to vector<64x128xf32>
    %dot_general3A_47 = arith.constant dense<0.000000e+00> : vector<10000x128xf32>
    %dot_general3A_48 = tpu.matmul %get3A_41, %get3A_46, %dot_general3A_47 {dimension_numbers = #tpu.dot_dimension_numbers<[1], [0], [0], [1], [0, 0, 1, 1], [], []>, transpose_lhs_hint = false} : vector<10000x64xf32>, vector<64x128xf32>, vector<10000x128xf32> -> vector<10000x128xf32>
    %add3A_49 = arith.addf %add3A_36, %dot_general3A_48 : vector<10000x128xf32>
    %get3A_50 = arith.constant 0 : index
    %get3A_51 = arith.constant 0 : index
    %get3A_52 = vector.load %arg2[%get3A_50, %get3A_51] : memref<128x128xf32, #tpu.memory_space<vmem>>, vector<128x128xf32>
    %transpose3A = tpu.transpose %get3A_52, [1, 0] : vector<128x128xf32> -> vector<128x128xf32>
    %dot_general3A_53 = arith.constant dense<0.000000e+00> : vector<10000x128xf32>
    %dot_general3A_54 = tpu.matmul %add3A_49, %transpose3A, %dot_general3A_53 {dimension_numbers = #tpu.dot_dimension_numbers<[1], [0], [0], [1], [0, 0, 1, 1], [], []>, transpose_lhs_hint = false} : vector<10000x128xf32>, vector<128x128xf32>, vector<10000x128xf32> -> vector<10000x128xf32>
    %get3A_55 = arith.constant 0 : index
    %get3A_56 = arith.constant 0 : index
    %get3A_57 = vector.load %arg3[%get3A_55, %get3A_56] : memref<1x128xf32, #tpu.memory_space<vmem>>, vector<1x128xf32>
    %add3A_58 = vector.broadcast %get3A_57 : vector<1x128xf32> to vector<10000x128xf32>
    %add3A_59 = arith.addf %dot_general3A_54, %add3A_58 : vector<10000x128xf32>
    %max3A = arith.constant 0.000000e+00 : f32
    %max3A_60 = vector.broadcast %max3A : f32 to vector<10000x128xf32>
    %max3A_61 = arith.maximumf %add3A_59, %max3A_60 : vector<10000x128xf32>
    %reduce_sum3A = arith.constant dense<0.000000e+00> : vector<128xf32>
    %reduce_sum3A_62 = vector.multi_reduction <add>, %max3A_61, %reduce_sum3A [0] : vector<10000x128xf32> to vector<128xf32>
    %broadcast_in_dim3A_63 = vector.shape_cast %reduce_sum3A_62 : vector<128xf32> to vector<1x128xf32>
    %div3A = arith.constant 1.000000e+04 : f32
    %div3A_64 = vector.broadcast %div3A : f32 to vector<1x128xf32>
    %div3A_65 = arith.divf %broadcast_in_dim3A_63, %div3A_64 : vector<1x128xf32>
    %sub3A = vector.broadcast %div3A_65 : vector<1x128xf32> to vector<10000x128xf32>
    %sub3A_66 = arith.subf %max3A_61, %sub3A : vector<10000x128xf32>
    %sub3A_67 = vector.broadcast %div3A_65 : vector<1x128xf32> to vector<10000x128xf32>
    %sub3A_68 = arith.subf %max3A_61, %sub3A_67 : vector<10000x128xf32>
    %mul3A = arith.mulf %sub3A_66, %sub3A_68 : vector<10000x128xf32>
    %reduce_sum3A_69 = arith.constant dense<0.000000e+00> : vector<128xf32>
    %reduce_sum3A_70 = vector.multi_reduction <add>, %mul3A, %reduce_sum3A_69 [0] : vector<10000x128xf32> to vector<128xf32>
    %broadcast_in_dim3A_71 = vector.shape_cast %reduce_sum3A_70 : vector<128xf32> to vector<1x128xf32>
    %div3A_72 = arith.constant 1.000000e+04 : f32
    %div3A_73 = vector.broadcast %div3A_72 : f32 to vector<1x128xf32>
    %div3A_74 = arith.divf %broadcast_in_dim3A_71, %div3A_73 : vector<1x128xf32>
    %get3A_75 = arith.constant 0 : index
    %get3A_76 = arith.constant 0 : index
    %get3A_77 = vector.load %arg4[%get3A_75, %get3A_76] : memref<1x128xf32, #tpu.memory_space<vmem>>, vector<1x128xf32>
    %sub3A_78 = vector.broadcast %div3A_65 : vector<1x128xf32> to vector<10000x128xf32>
    %sub3A_79 = arith.subf %max3A_61, %sub3A_78 : vector<10000x128xf32>
    %mul3A_80 = vector.broadcast %get3A_77 : vector<1x128xf32> to vector<10000x128xf32>
    %mul3A_81 = arith.mulf %mul3A_80, %sub3A_79 : vector<10000x128xf32>
    %add3A_82 = arith.constant 9.99999974E-6 : f32
    %add3A_83 = vector.broadcast %add3A_82 : f32 to vector<1x128xf32>
    %add3A_84 = arith.addf %div3A_74, %add3A_83 : vector<1x128xf32>
    %rsqrt3A = math.rsqrt %add3A_84 : vector<1x128xf32>
    %mul3A_85 = vector.broadcast %rsqrt3A : vector<1x128xf32> to vector<10000x128xf32>
    %mul3A_86 = arith.mulf %mul3A_81, %mul3A_85 : vector<10000x128xf32>
    %get3A_87 = arith.constant 0 : index
    %get3A_88 = arith.constant 0 : index
    %get3A_89 = vector.load %arg5[%get3A_87, %get3A_88] : memref<1x128xf32, #tpu.memory_space<vmem>>, vector<1x128xf32>
    %add3A_90 = vector.broadcast %get3A_89 : vector<1x128xf32> to vector<10000x128xf32>
    %add3A_91 = arith.addf %mul3A_86, %add3A_90 : vector<10000x128xf32>
    %swap3A = arith.constant 0 : index
    %swap3A_92 = arith.constant 0 : index
    %swap3A_93 = vector.load %arg6[%swap3A, %swap3A_92] : memref<10000x128xf32, #tpu.memory_space<vmem>>, vector<10000x128xf32>
    tpu.vector_store %arg6[%swap3A, %swap3A_92], %add3A_91 {strides = array<i32>} : memref<10000x128xf32, #tpu.memory_space<vmem>>, vector<10000x128xf32>,
    return
  }
}

</mosaic_0001>

<sc_bundles>
// kernel: kernel.4.cloned.1.call-start
scs
__scs_entry_jumppad:
0x0: {  	(pc) =	sbr.rel $0x88, $3  }
0x1: {  	(tag) =	ssettag $0x0;
	lr =	simm.s32 $0x1  }
0x2: {  	[smem:$0x3F99] =	sst lr;
	_ =	strace $0xD0000000  }
0x3: {  	_ = 	snop  }
0x4: {  	_ = 	snop  }
0x5: {  	_ = 	snop  }
0x6: {  	_ = 	snop  }
0x7: {  	_ = 	snop  }
__scs_overlays_trampoline_lowered:
0x8: {  	[smem:$0x3FA8] =	sst s0  }
0x9: {  	[smem:$0x3FA9] =	sst s1  }
0xa: {  	[smem:$0x3FAA] =	sst s2  }
0xb: {  	[smem:$0x3FAB] =	sst s3  }
0xc: {  	[smem:$0x3FAC] =	sst s4  }
0xd: {  	[smem:$0x3FAD] =	sst s5  }
0xe: {  	[smem:$0x3FAE] =	sst s6  }
0xf: {  	[smem:$0x3FAF] =	sst s7  }
0x10: {  	[smem:$0x3FB0] =	sst s8  }
0x11: {  	[smem:$0x3FB1] =	sst s9;
	s0 =	simm.s32 @!p0 $0x0  }
0x12: {  	s1 =	sld [smem:$0x3F97];
	s0 =	simm.s32 @p0 $0x1  }
0x13: {  	[smem:$0x3FB2] =	sst s0;
	s0 =	simm.s32 @!p1 $0x0  }
0x14: {  	s2 =	sld [smem:$0x3F96];
	s0 =	simm.s32 @p1 $0x1  }
0x15: {  	[smem:$0x3FB3] =	sst s0;
	s0 =	simm.s32 @!p2 $0x0  }
0x16: {  	s3 =	sld [smem:$0x3FDB];
	s0 =	simm.s32 @p2 $0x1  }
0x17: {  	s4 =	simm.s32 $0x1BF5;
	[smem:$0x3FB5] =	sst s0  }
0x18: {  	s0 =	sld [smem:$0x3F98];
	_ =	swait.ge [sflag:s4], $0x0  }
0x19: {  	s7 =	sld [smem:$0x3F99]  }
0x1a: {  	s8 =	sadd.s32 $0xFFFFE003, lr  }
0x1b: {  	s9 =	sadd.s32 $0xFFFFFEF7, lr;
	s5 =	simm.s32 $0xFFFFFFFF;
	p2 =	slt.u32 s8, $0xFFFFF086  }
0x1c: {  	p1 =	slt.u32 s9, $0xF7A;
	s5 =	simm.s32 @!p2 $0x0  }
0x1d: {  	s5 =	simm.s32 @p1 $0x1;
	p0 =	seq.s32 s7, s2  }
0x1e: {  	s7 =	smul.u32 @!p0 $0xF7A, s2;
	p2 =	seq.s32 @!p0 s5, $0x0  }
0x1f: {  	s9 =	smul.u32 $0xF7A, s1;
	s8 =	simm.s32 @!p0 $0x1BF5;
	p2 =	por !p2, p0  }
0x20: {  	[sflag:s8] =	ssyncset.s32 @!p0 $0xFFFFF086;
	s6 =	sadd.s32 @!p0 s3, s7;
	s7 =	simm.s32 @!p0 $0x108  }
0x21: {  	s3 =	sadd.s32 s3, s9;
	s6 =	sadd.s32 @!p0 $0x88, s6;
	s7 =	simm.s32 @p2 $0x1082  }
0x22: {  	[simem:s7], [sflag:s8] =	dma.local @!p0 [hbm:s6], $0xF7A  }
0x23: {  	s9 =	sor.u32 $0xD0000000, s2;
	s6 =	simm.s32 $0x108;
	_ =	swait.ge @!p0 [sflag:s8], $0x0  }
0x24: {  	s3 =	sadd.s32 $0x88, s3;
	s6 =	simm.s32 @!p1 $0x1082;
	[sflag:s4] =	ssyncset.s32 $0xFFFFF086  }
0x25: {  	[simem:s6], [sflag:s4] =	dma.local [hbm:s3], $0xF7A  }
0x26: {  	[smem:$0x3F99] =	sst s1;
	(tag) =	ssettag s2;
	_ =	strace s9  }
0x27: {  	s1 =	sld [smem:$0x3FA9]  }
0x28: {  	s2 =	sld [smem:$0x3FAA]  }
0x29: {  	s4 =	sld [smem:$0x3FAC]  }
0x2a: {  	p0 =	seq.s32 s5, $0x0;
	s5 =	sld [smem:$0x3FAD]  }
0x2b: {  	s6 =	sld [smem:$0x3FAE]  }
0x2c: {  	s7 =	sld [smem:$0x3FAF]  }
0x2d: {  	s3 =	simm.s32 $0x108;
	s8 =	sld [smem:$0x3FB0]  }
0x2e: {  	s3 =	simm.s32 @!p0 $0x1082;
	s9 =	sld [smem:$0x3FB1]  }
0x2f: {  	lr =	sadd.s32 s0, s3;
	s0 =	sld [smem:$0x3FA8]  }
0x30: {  	s3 =	sld [smem:$0x3FAB]  }
0x31: {  	[smem:$0x3FB4] =	sst s10  }
0x32: {  	s10 =	sld [smem:$0x3FB2];
	_ =	sdelay $0x3  }
0x33: {  	p0 =	seq.s32 s10, $0x1;
	s10 =	sld [smem:$0x3FB4];
	_ =	sdelay $0x3  }
0x34: {  	[smem:$0x3FB4] =	sst s10  }
0x35: {  	s10 =	sld [smem:$0x3FB3];
	_ =	sdelay $0x3  }
0x36: {  	p1 =	seq.s32 s10, $0x1;
	s10 =	sld [smem:$0x3FB4];
	_ =	sdelay $0x3  }
0x37: {  	[smem:$0x3FB4] =	sst s10  }
0x38: {  	s10 =	sld [smem:$0x3FB5]  }
0x39: {  	_ = 	snop;
	(pc) =	sbr.ind lr, $3  }
0x3a: {  	_ = 	snop  }
0x3b: {  	_ = 	snop  }
0x3c: {  	p2 =	seq.s32 s10, $0x1;
	s10 =	sld [smem:$0x3FB4]  }
0x3d: {  	_ =	shalt  }
0x3e: {  	_ =	shalt  }
0x3f: {  	_ =	shalt  }
0x40: {  	_ =	shalt  }
0x41: {  	_ =	shalt  }
0x42: {  	_ =	shalt  }
0x43: {  	_ =	shalt  }
0x44: {  	_ =	shalt  }
0x45: {  	_ =	shalt  }
0x46: {  	_ =	shalt  }
0x47: {  	_ =	shalt  }
0x48: {  	_ =	shalt  }
0x49: {  	_ =	shalt  }
0x4a: {  	_ =	shalt  }
0x4b: {  	_ =	shalt  }
0x4c: {  	_ =	shalt  }
0x4d: {  	_ =	shalt  }
0x4e: {  	_ =	shalt  }
0x4f: {  	_ =	shalt  }
0x50: {  	_ =	shalt  }
0x51: {  	_ =	shalt  }
0x52: {  	_ =	shalt  }
0x53: {  	_ =	shalt  }
0x54: {  	_ =	shalt  }
0x55: {  	_ =	shalt  }
0x56: {  	_ =	shalt  }
0x57: {  	_ =	shalt  }
0x58: {  	_ =	shalt  }
0x59: {  	_ =	shalt  }
0x5a: {  	_ =	shalt  }
0x5b: {  	_ =	shalt  }
0x5c: {  	_ =	shalt  }
0x5d: {  	_ =	shalt  }
0x5e: {  	_ =	shalt  }
0x5f: {  	_ =	shalt  }
0x60: {  	_ =	shalt  }
0x61: {  	_ =	shalt  }
0x62: {  	_ =	shalt  }
0x63: {  	_ =	shalt  }
0x64: {  	_ =	shalt  }
0x65: {  	_ =	shalt  }
0x66: {  	_ =	shalt  }
0x67: {  	_ =	shalt  }
0x68: {  	_ =	shalt  }
0x69: {  	_ =	shalt  }
0x6a: {  	_ =	shalt  }
0x6b: {  	_ =	shalt  }
0x6c: {  	_ =	shalt  }
0x6d: {  	_ =	shalt  }
0x6e: {  	_ =	shalt  }
0x6f: {  	_ =	shalt  }
0x70: {  	_ =	shalt  }
0x71: {  	_ =	shalt  }
0x72: {  	_ =	shalt  }
0x73: {  	_ =	shalt  }
0x74: {  	_ =	shalt  }
0x75: {  	_ =	shalt  }
0x76: {  	_ =	shalt  }
0x77: {  	_ =	shalt  }
0x78: {  	_ =	shalt  }
0x79: {  	_ =	shalt  }
0x7a: {  	_ =	shalt  }
0x7b: {  	_ =	shalt  }
0x7c: {  	_ =	shalt  }
0x7d: {  	_ =	shalt  }
0x7e: {  	_ =	shalt  }
0x7f: {  	_ =	shalt  }
0x80: {  	_ =	shalt  }
0x81: {  	_ =	shalt  }
0x82: {  	_ =	shalt  }
0x83: {  	_ =	shalt  }
0x84: {  	_ =	shalt  }
0x85: {  	_ =	shalt  }
0x86: {  	_ =	shalt  }
0x87: {  	_ =	shalt  }
.Lfunc_end0:
.L_simem_size_0:
called_computation_lowered:
.L_overlay_start_0:
0x88: {  	s2 =	sld [smem:$0x3FD9]  }
0x89: {  	s3 =	sld [smem:$0x3FFE];
	_ =	sdelay $0x1  }
0x8a: {  	s1 =	srdreg.scid  }
0x8b: {  	s0 =	sand.u32 $0x1, s1  }
0x8c: {  	s17 =	sshll.u32 s0, $0xA;
	s2 =	sadd.s32 s3, s2  }
0x8d: {  	s2 =	sadd.s32 s2, s17  }
0x8e: {  	[smem:$0x3FC0] =	sst s2  }
0x8f: {  	_ = 	snop  }
0x90: {  	s2 =	sld [smem:$0x3FD0];
	(tm) =	ssettm $0x1  }
0x91: {  	s18 =	sld [smem:$0x3FFB];
	_ =	sdelay $0x3  }
0x92: {  	_ =	strace s18  }
0x93: {  	s3 =	sld [smem:$0x3FFC];
	_ =	sdelay $0x3  }
0x94: {  	_ =	strace s3  }
0x95: {  	s3 =	sld [smem:$0x3FFD];
	_ =	sdelay $0x3  }
0x96: {  	_ =	strace s3  }
0x97: {  	_ =	strace $0x8FFFFFFF  }
0x98: {  	s19 =	sld [smem:$0x3FDB];
	_ =	sdelay $0x1  }
0x99: {  	s4 =	simm.s32 $_scs_section_size  }
0x9a: {  	s5 =	simm.s32 $_size__tile_overlayer_lowered;
	s6 =	simm.s32 $_tile_overlayer_lowered  }
0x9b: {  	s22 =	simm.s32 $0x1BFF;
	s21 =	sshll.u32 s6, $0x1;
	s3 =	sadd.s32 s4, s19  }
0x9c: {  	s7 =	simm.s32 $0x0;
	s20 =	sshll.u32 s5, $0x1;
	s5 =	sadd.s32 s21, s3  }
0x9d: {  	[timem:s7], [sflag:s22] =	dma.local [hbm:s5], s20  }
0x9e: {  	_ =	swait.ge [sflag:s22], s20  }
0x9f: {  	s4 =	ssub.s32 $0x0, s20;
	[sflag:s22] =	ssyncset.done $0x0  }
0xa0: {  	[sflag:s22] =	ssyncadd.s32 s4;
	_ =	sdelay $0x1  }
0xa1: {  	s23 =	simm.s32 $0x1B8B  }
0xa2: {  	_ =	swait.ge [sflag:s23], $0x1  }
0xa3: {  	[sflag:s23] =	ssyncset.done $0x0  }
0xa4: {  	s25 =	simm.s32 $0x1B8E;
	s24 =	sld [smem:$0x3FFE];
	[sflag:s23] =	ssyncadd.s32 $0xFFFFFFFF  }
0xa5: {  	s26 =	simm.s32 $execute0_lowered;
	[smem:$0x3FD2] =	sst s25  }
0xa6: {  	s5 =	sshll.u32 s26, $0x1;
	_ =	strace $0x80000046;
	[dreg:$0x1] =	wrdreg $0xFFFFFFFF  }
0xa7: {  	s28 =	simm.s32 $_size_execute0_lowered;
	s3 =	sadd.s32 s3, s5;
	[dreg:$0x0] =	wrdreg $0x0  }
0xa8: {  	s5 =	sshll.u32 s28, $0x1;
	[dreg:$0x2] =	wrdreg s3  }
0xa9: {  	[dreg:$0x3] =	wrdreg s5  }
0xaa: {  	[dreg:$0x4] =	wrdreg $0xC0  }
0xab: {  	_ =	task [dreg:s7], $0x5FFFF  }
0xac: {  	[dreg:$0x1] =	wrdreg $0xFFFFFFFF  }
0xad: {  	[dreg:$0x0] =	wrdreg $0x60  }
0xae: {  	[dreg:$0x2] =	wrdreg s2  }
0xaf: {  	[dreg:$0x3] =	wrdreg s24  }
0xb0: {  	[dreg:$0x4] =	wrdreg $0x29400  }
0xb1: {  	[dreg:$0x5] =	wrdreg $0x163400  }
0xb2: {  	[dreg:$0x6] =	wrdreg $0x9  }
0xb3: {  	_ =	task.clear_ibuf [dreg:s7], $0x7FFFF;
	_ =	strace $0x90000046  }
0xb4: {  	s29 =	simm.s32 $0x9;
	_ =	strace $0x80000048  }
0xb5: {  	_ =	swait.ge [sflag:s29], $0x1  }
0xb6: {  	[sflag:s29] =	ssyncadd.s32 $0xFFFFFFFF  }
0xb7: {  	_ =	strace $0x90000048  }
0xb8: {  	_ =	sfence  }
0xb9: {  	s30 =	sld [smem:$0x0];
	_ =	sdelay $0x2  }
0xba: {  	s31 =	sshll.u32 s1, $0xD;
	s1 =	sshrl.u32 s1, $0x2  }
0xbb: {  	s3 =	sand.u32 $0x4000, s31;
	s1 =	sadd.s32 s1, s30  }
0xbc: {  	s0 =	sor.u32 s3, s0;
	s1 =	sshll.u32 s1, $0x11  }
0xbd: {  	s0 =	sor.u32 s1, s0  }
0xbe: {  	s0 =	sadd.s32 $0x8F2B, s0  }
0xbf: {  	[sflag:s0] =	ssyncadd.remote.s32 $0x1  }
0xc0: {  	_ =	sfence.sel $0xFFFF  }
0xc1: {  	[dreg:$0x0] =	wrdreg $0xFFFFFFFF;
	(pc) =	sbr.abs _section_cstart, $3  }
0xc2: {  	[dreg:$0x1] =	wrdreg $0xFFFFFFFF  }
0xc3: {  	_ =	task.clear_ibuf [dreg:s7], $0x2FFFF;
	_ =	strace $0x9FFFFFFF  }
0xc4: {  	(tm) =	ssettm $0x7FFFFFFF  }
0xc5: {  	_ =	shalt  }
tec
execute0_lowered:
.L_overlay_start_1:
0x0: {  	(tag) =	ssettag $0x1  }
0x1: {  	s12 =	rddreg [dreg:$0x0]  }
0x2: {  	s6 =	rddreg [dreg:$0x1]  }
0x3: {  	s2 =	rddreg [dreg:$0x2];
	s1 =	srdreg.scid  }
0x4: {  	s0 =	stileid.u32;
	s3 =	rddreg [dreg:$0x3]  }
0x5: {  	s4 =	simm.s32 $0x0;
	s18 =	simm.s32 $0x50;
	s19 =	simm.s32 $0x140  }
0x6: {  	s20 =	simm.s32 $0x1;
	s21 =	simm.s32 $0xA0;
	s22 =	simm.s32 $0x1540  }
0x7: {  	s23 =	simm.s32 $0x2;
	s24 =	simm.s32 $0xF0;
	s25 =	simm.s32 $0x0  }
0x8: {  	s7 =	sand.u32 $0x1, s1;
	s8 =	smul.u32 $0x13A00, s0;
	s1 =	rddreg [dreg:$0x4]  }
0x9: {  	[smem:$0x7FF] =	sst s4;
	s11 =	sadd.s32 $0x14C00, s6;
	s14 =	smul.u32 $0x9C40, s0  }
0xa: {  	s9 =	sadd.s32 $0x1200, s6;
	s30 =	sshll.u32 s0, $0x6;
	s31 =	smul.u32 $0x1388, s0  }
0xb: {  	s5 =	smul.u32 $0x13A000, s7;
	_ =	strace $0x80000047;
	s13 =	ssub.s32 $0x2, s7  }
0xc: {  	p0 =	seq.s32 s7, $0x1;
	s29 =	sshrl.u32 s13, $0x1;
	s15 =	sadd.s32 s8, s2  }
0xd: {  	s16 =	sadd.s32 s14, s3;
	s14 =	sshrl.u32 s14, $0x3;
	s7 =	sadd.s32 s9, s31  }
0xe: {  	s12 =	smov.u32 @p0 s11;
	s5 =	sadd.s32 s8, s5;
	s13 =	ssub.s32 s13, s29  }
0xf: {  	s17 =	sadd.s32 s9, s14;
	s12 =	sadd.s32 s12, s14;
	s14 =	sshrl.u32 s15, $0x3  }
0x10: {  	s15 =	simm.s32 $0x4;
	s16 =	sshrl.u32 s16, $0x3;
	s10 =	sshrl.u32 s5, $0x3  }
0x11: {  	s5 =	sadd.s32 $0x28600, s6;
	s9 =	smax.u32 s13, $0x1;
	s11 =	sadd.s32 $0x28, s17  }
0x12: {  	s13 =	sadd.s32 $0x1374, s17;
	s10 =	sadd.s32 s10, s6;
	s6 =	sor.u32 $0x1C04, s30  }
0x13: {  	s8 =	sadd.s32 $0x2AE00, s10;
	s10 =	sadd.s32 $0x14, s17;
	s17 =	simm.s32 $0x3  }
.LBB2_1:
0x14: {  	[spmem:s14], [sflag:s6] =	dma.local [hbm:s5], $0x2740  }
0x15: {  	_ =	swait.ge [sflag:s15], $0x2740  }
0x16: {  	[sflag:s15] =	ssyncset.done $0x0  }
0x17: {  	[sflag:s15] =	ssyncadd.s32 $0xFFFFD8C0  }
0x18: {  	[spmem:s16], [sflag:s6] =	dma.local [hbm:s12], $0x1388  }
0x19: {  	_ =	swait.ge [sflag:s15], $0x1388  }
0x1a: {  	[sflag:s15] =	ssyncset.done $0x0  }
0x1b: {  	[sflag:s15] =	ssyncadd.s32 $0xFFFFEC78  }
0x1c: {  	[bflag:$0x0] =	sbarrier.arrive $0xFFFF  }
0x1d: {  	[tilespmem:s4], [sflag:$0x3] =	stream.linear.gather [hbm4b:s7+s4], $0xA0, $0x38;
	[tilespmem:$0x1FF80] =	vst v63  }
0x1e: {  	_ =	swait.ge [sflag:s17], $0xA0  }
0x1f: {  	[sflag:s17] =	ssyncset.done $0x0  }
0x20: {  	[sflag:s17] =	ssyncadd.s32 $0xFFFFFF60  }
0x21: {  	[tilespmem:s19], [sflag:$0x1] =	stream.indirect.gather [spmem:s3], $0x40, s4, s18, $0xb8;
	[tilespmem:$0x1FF80] =	vst v63  }
0x22: {  	_ =	swait.ge [sflag:s20], $0x1400  }
0x23: {  	[sflag:s20] =	ssyncset.done $0x0  }
0x24: {  	[sflag:s20] =	ssyncadd.s32 $0xFFFFEC00  }
0x25: {  	[tilespmem:s21], [sflag:$0x3] =	stream.linear.gather [hbm4b:s10+s4], $0xA0, $0x38;
	[tilespmem:$0x1FF80] =	vst v63  }
0x26: {  	_ = 	snop  }
0x27: {  	[spmem:s2] =	stream.indirect.scatter.add.f32 [tilespmem:s19], [sflag:$0x2], $0x40, s18, s18, $0xb8;
	[tilespmem:$0x1FF80] =	vst v63  }
0x28: {  	_ =	swait.ge [sflag:s17], $0xA0  }
0x29: {  	[sflag:s17] =	ssyncset.done $0x0  }
0x2a: {  	[sflag:s17] =	ssyncadd.s32 $0xFFFFFF60  }
0x2b: {  	[tilespmem:s22], [sflag:$0x1] =	stream.indirect.gather [spmem:s3], $0x40, s21, s18, $0xb8;
	[tilespmem:$0x1FF80] =	vst v63  }
0x2c: {  	_ =	swait.ge [sflag:s20], $0x1400  }
0x2d: {  	[sflag:s20] =	ssyncset.done $0x0  }
0x2e: {  	[sflag:s20] =	ssyncadd.s32 $0xFFFFEC00  }
0x2f: {  	_ =	swait.ge [sflag:s23], $0x1400  }
0x30: {  	[sflag:s23] =	ssyncset.done $0x0  }
0x31: {  	[sflag:s23] =	ssyncadd.s32 $0xFFFFEC00  }
0x32: {  	[tilespmem:s4], [sflag:$0x3] =	stream.linear.gather [hbm4b:s11+s4], $0xA0, $0x38;
	[tilespmem:$0x1FF80] =	vst v63  }
0x33: {  	_ = 	snop  }
0x34: {  	[spmem:s2] =	stream.indirect.scatter.add.f32 [tilespmem:s22], [sflag:$0x2], $0x40, s24, s18, $0xb8;
	[tilespmem:$0x1FF80] =	vst v63  }
0x35: {  	_ =	swait.ge [sflag:s17], $0xA0  }
0x36: {  	[sflag:s17] =	ssyncset.done $0x0  }
0x37: {  	[sflag:s17] =	ssyncadd.s32 $0xFFFFFF60  }
0x38: {  	[tilespmem:s19], [sflag:$0x1] =	stream.indirect.gather [spmem:s3], $0x40, s4, s18, $0xb8;
	[tilespmem:$0x1FF80] =	vst v63  }
0x39: {  	_ =	swait.ge [sflag:s20], $0x1400  }
0x3a: {  	[sflag:s20] =	ssyncset.done $0x0  }
0x3b: {  	[sflag:s20] =	ssyncadd.s32 $0xFFFFEC00  }
0x3c: {  	_ =	swait.ge [sflag:s23], $0x1400  }
0x3d: {  	s26 =	sadd.s32 $0xFFFFECC8, s7;
	[sflag:s23] =	ssyncset.done $0x0  }
0x3e: {  	s28 =	sadd.s32 $0x1374, s26;
	[sflag:s23] =	ssyncadd.s32 $0xFFFFEC00  }
0x3f: {  	[tilespmem:s21], [sflag:$0x3] =	stream.linear.gather [hbm4b:s28+s4], $0xA0, $0x38;
	[tilespmem:$0x1FF80] =	vst v63  }
0x40: {  	_ = 	snop  }
0x41: {  	[spmem:s2] =	stream.indirect.scatter.add.f32 [tilespmem:s19], [sflag:$0x2], $0x40, s18, s18, $0xb8;
	[tilespmem:$0x1FF80] =	vst v63  }
0x42: {  	_ =	swait.ge [sflag:s17], $0xA0  }
0x43: {  	[sflag:s17] =	ssyncset.done $0x0  }
0x44: {  	[sflag:s17] =	ssyncadd.s32 $0xFFFFFF60  }
0x45: {  	[tilespmem:s22], [sflag:$0x1] =	stream.indirect.gather [spmem:s3], $0x40, s21, s18, $0xb8;
	[tilespmem:$0x1FF80] =	vst v63  }
0x46: {  	_ =	swait.ge [sflag:s20], $0x1400  }
0x47: {  	[sflag:s20] =	ssyncset.done $0x0  }
0x48: {  	[sflag:s20] =	ssyncadd.s32 $0xFFFFEC00  }
0x49: {  	_ =	swait.ge [sflag:s23], $0x1400  }
0x4a: {  	[sflag:s23] =	ssyncset.done $0x0  }
0x4b: {  	s26 =	sadd.s32 $0x1388, s26;
	[sflag:s23] =	ssyncadd.s32 $0xFFFFEC00  }
0x4c: {  	[tilespmem:s4], [sflag:$0x3] =	stream.linear.gather [hbm4b:s26+s4], $0xA0, $0x38;
	[tilespmem:$0x1FF80] =	vst v63  }
0x4d: {  	_ = 	snop  }
0x4e: {  	[spmem:s2] =	stream.indirect.scatter.add.f32 [tilespmem:s22], [sflag:$0x2], $0x40, s24, s18, $0xb8;
	[tilespmem:$0x1FF80] =	vst v63  }
0x4f: {  	_ =	swait.ge [sflag:s17], $0xA0  }
0x50: {  	[sflag:s17] =	ssyncset.done $0x0  }
0x51: {  	s26 =	simm.s32 $0xFFFFECF0;
	[sflag:s17] =	ssyncadd.s32 $0xFFFFFF60  }
.LBB2_2:
0x52: {  	[tilespmem:s19], [sflag:$0x1] =	stream.indirect.gather [spmem:s3], $0x40, s4, s18, $0xb8;
	[tilespmem:$0x1FF80] =	vst v63  }
0x53: {  	s28 =	smov.u32 s26  }
0x54: {  	p0 =	sne.s32 s26, $0xFFFFFFD8;
	s26 =	sadd.s32 $0x28, s26;
	_ =	swait.ge [sflag:s20], $0x1400  }
0x55: {  	[sflag:s20] =	ssyncset.done $0x0  }
0x56: {  	[sflag:s20] =	ssyncadd.s32 $0xFFFFEC00  }
0x57: {  	_ =	swait.ge [sflag:s23], $0x1400  }
0x58: {  	s28 =	sadd.s32 s28, s7;
	[sflag:s23] =	ssyncset.done $0x0  }
0x59: {  	s29 =	sadd.s32 $0x1374, s28;
	[sflag:s23] =	ssyncadd.s32 $0xFFFFEC00  }
0x5a: {  	[tilespmem:s21], [sflag:$0x3] =	stream.linear.gather [hbm4b:s29+s4], $0xA0, $0x38;
	[tilespmem:$0x1FF80] =	vst v63  }
0x5b: {  	_ = 	snop  }
0x5c: {  	[spmem:s2] =	stream.indirect.scatter.add.f32 [tilespmem:s19], [sflag:$0x2], $0x40, s18, s18, $0xb8;
	[tilespmem:$0x1FF80] =	vst v63  }
0x5d: {  	_ =	swait.ge [sflag:s17], $0xA0  }
0x5e: {  	[sflag:s17] =	ssyncset.done $0x0  }
0x5f: {  	[sflag:s17] =	ssyncadd.s32 $0xFFFFFF60  }
0x60: {  	[tilespmem:s22], [sflag:$0x1] =	stream.indirect.gather [spmem:s3], $0x40, s21, s18, $0xb8;
	[tilespmem:$0x1FF80] =	vst v63  }
0x61: {  	_ =	swait.ge [sflag:s20], $0x1400  }
0x62: {  	[sflag:s20] =	ssyncset.done $0x0  }
0x63: {  	[sflag:s20] =	ssyncadd.s32 $0xFFFFEC00  }
0x64: {  	_ =	swait.ge [sflag:s23], $0x1400  }
0x65: {  	[sflag:s23] =	ssyncset.done $0x0  }
0x66: {  	s28 =	sadd.s32 $0x1388, s28;
	[sflag:s23] =	ssyncadd.s32 $0xFFFFEC00  }
0x67: {  	[tilespmem:s4], [sflag:$0x3] =	stream.linear.gather [hbm4b:s28+s4], $0xA0, $0x38;
	[tilespmem:$0x1FF80] =	vst v63  }
.Ltmp0:
0x68: {  	(pc) =	sbr.rel @p0 .LBB2_2-.Ltmp0, $4  }
0x69: {  	[spmem:s2] =	stream.indirect.scatter.add.f32 [tilespmem:s22], [sflag:$0x2], $0x40, s24, s18, $0xb8;
	[tilespmem:$0x1FF80] =	vst v63  }
0x6a: {  	_ =	swait.ge [sflag:s17], $0xA0  }
0x6b: {  	[sflag:s17] =	ssyncset.done $0x0  }
0x6c: {  	[sflag:s17] =	ssyncadd.s32 $0xFFFFFF60  }
0x6d: {  	[tilespmem:s19], [sflag:$0x1] =	stream.indirect.gather [spmem:s3], $0x40, s4, s18, $0xb8;
	[tilespmem:$0x1FF80] =	vst v63  }
0x6e: {  	_ =	swait.ge [sflag:s20], $0x1400  }
0x6f: {  	[sflag:s20] =	ssyncset.done $0x0  }
0x70: {  	[sflag:s20] =	ssyncadd.s32 $0xFFFFEC00  }
0x71: {  	_ =	swait.ge [sflag:s23], $0x1400  }
0x72: {  	[sflag:s23] =	ssyncset.done $0x0  }
0x73: {  	[sflag:s23] =	ssyncadd.s32 $0xFFFFEC00  }
0x74: {  	[tilespmem:s21], [sflag:$0x3] =	stream.linear.gather [hbm4b:s13+s4], $0xA0, $0x38;
	[tilespmem:$0x1FF80] =	vst v63  }
0x75: {  	_ = 	snop  }
0x76: {  	[spmem:s2] =	stream.indirect.scatter.add.f32 [tilespmem:s19], [sflag:$0x2], $0x40, s18, s18, $0xb8;
	[tilespmem:$0x1FF80] =	vst v63  }
0x77: {  	_ =	swait.ge [sflag:s17], $0xA0  }
0x78: {  	[sflag:s17] =	ssyncset.done $0x0  }
0x79: {  	[sflag:s17] =	ssyncadd.s32 $0xFFFFFF60  }
0x7a: {  	[tilespmem:s22], [sflag:$0x1] =	stream.indirect.gather [spmem:s3], $0x40, s21, s18, $0xb8;
	[tilespmem:$0x1FF80] =	vst v63  }
0x7b: {  	_ =	swait.ge [sflag:s20], $0x1400  }
0x7c: {  	[sflag:s20] =	ssyncset.done $0x0  }
0x7d: {  	[sflag:s20] =	ssyncadd.s32 $0xFFFFEC00  }
0x7e: {  	_ =	swait.ge [sflag:s23], $0x1400  }
0x7f: {  	[sflag:s23] =	ssyncset.done $0x0  }
0x80: {  	[sflag:s23] =	ssyncadd.s32 $0xFFFFEC00  }
0x81: {  	[spmem:s2] =	stream.indirect.scatter.add.f32 [tilespmem:s22], [sflag:$0x2], $0x40, s24, s18, $0xb8;
	[tilespmem:$0x1FF80] =	vst v63  }
0x82: {  	_ =	swait.ge [sflag:s23], $0x1400  }
0x83: {  	s25 =	sadd.s32 $0x1, s25;
	[sflag:s23] =	ssyncset.done $0x0  }
0x84: {  	p0 =	sne.s32 s25, s9;
	[sflag:s23] =	ssyncadd.s32 $0xFFFFEC00  }
.Ltmp1:
0x85: {  	[bflag:$0x0] =	sbarrier.arrive $0xFFFF;
	(pc) =	sbr.rel @p0 .LBB2_1-.Ltmp1, $4  }
0x86: {  	[hbm:s8], [sflag:s6] =	dma.local [spmem:s14], $0x2740  }
0x87: {  	_ =	swait.ge [sflag:s15], $0x2740  }
0x88: {  	[sflag:s15] =	ssyncset.done $0x0  }
0x89: {  	[sflag:s15] =	ssyncadd.s32 $0xFFFFD8C0  }
0x8a: {  	_ =	sfence.sel $0x180000  }
0x8b: {  	[bflag:$0x0] =	sbarrier.arrive $0xFFFF  }
0x8c: {  	p0 =	sne.s32 s0, $0x0;
	_ =	strace $0x90000047  }
0x8d: {  	s0 =	sadd.s32 @!p0 $0x100000, s1;
	[bflag:$0x2] =	sbarrier.arrive $0xFFFF  }
0x8e: {  	[sflag:s0] =	ssyncadd.tile.s32 @!p0 $0x1;
	_ =	shalt  }
.Lfunc_end2:
_tile_overlayer_lowered:
.L_overlay_start_2:
0x8f: {  	(tag) =	ssettag $0x2  }
0x90: {  	s0 =	rddreg [dreg:$0x0];
	s2 =	stileid.u32  }
0x91: {  	s1 =	rddreg [dreg:$0x1];
	p0 =	sne.s32 s2, $0x0  }
0x92: {  	s3 =	rddreg [dreg:$0x2];
	[bflag:$0x3] =	sbarrier.arrive $0xFFFF;
	s2 =	simm.s32 @!p0 $0x1C04  }
0x93: {  	[timem:s3], [sflag:s2] =	dma.local @!p0 [hbm:s0], s1  }
0x94: {  	s0 =	simm.s32 @!p0 $0x4  }
0x95: {  	_ =	swait.ge @!p0 [sflag:s0], s1  }
0x96: {  	s1 =	ssub.s32 @!p0 $0x0, s1;
	[sflag:s0] =	ssyncset.done @!p0 $0x0  }
0x97: {  	[sflag:s0] =	ssyncadd.s32 @!p0 s1  }
0x98: {  	[bflag:$0x3] =	sbarrier.arrive $0xFFFF  }
0x99: {  	_ =	shalt  }

</sc_bundles>
